<compile_context>
chip_gen: v7x
topology: tpu7x:2x2x1
jax: 0.10.2.dev20260603
libtpu: 0.0.44.dev20260713+nightly
codegen_flags: <defaults>
</compile_context>

<pallas_src>
import functools
import jax
import jax.numpy as jnp
from jax import lax
from jax.experimental import pallas as pl
from jax.experimental.pallas import tpu as pltpu
from jax.experimental.pallas import tpu_sc as plsc

_NUM_EMBED = 8192
_D = 1024
_N = 65536
_NW = 32
_PPW = _N // _NW
_CHUNK = 32
_NCHUNK = _PPW // _CHUNK
_GROUPS = _PPW // 16


def _body(ori_hbm, emb_hbm, out_hbm,
          ori_v, idx_l, idx_r, w_a, w_b, rows_l, rows_r, out_v, sem):
    wid = lax.axis_index("s") * 2 + lax.axis_index("c")
    base = wid * _PPW

    pltpu.sync_copy(ori_hbm.at[pl.ds(base, _PPW)], ori_v)

    def idx_body(j, _):
        ov = ori_v[pl.ds(j * 16, 16)]
        o = (ov + 1.0) * (0.5 * _NUM_EMBED)
        f = o.astype(jnp.int32)
        ff = f.astype(jnp.float32)
        cf = jnp.where(o > ff, ff + 1.0, ff)
        c = cf.astype(jnp.int32)
        idx_l[pl.ds(j * 16, 16)] = c - 1
        idx_r[pl.ds(j * 16, 16)] = c & (_NUM_EMBED - 1)
        w_a[pl.ds(j * 16, 16)] = cf - o
        w_b[pl.ds(j * 16, 16)] = o - (cf - 1.0)
        return 0

    lax.fori_loop(0, _GROUPS, idx_body, 0, unroll=4)

    def chunk_body(g, _):
        cl = pltpu.async_copy(emb_hbm.at[idx_l.at[pl.ds(g * _CHUNK, _CHUNK)]],
                              rows_l, sem)
        cr = pltpu.async_copy(emb_hbm.at[idx_r.at[pl.ds(g * _CHUNK, _CHUNK)]],
                              rows_r, sem)
        cl.wait()
        cr.wait()

        def point_body(p, _):
            a = jnp.full((16,), w_a[pl.ds(g * _CHUNK + p, 16)][0],
                         dtype=jnp.float32)
            b = jnp.full((16,), w_b[pl.ds(g * _CHUNK + p, 16)][0],
                         dtype=jnp.float32)

            def col_body(jj, _):
                lv = rows_l[p, pl.ds(jj * 16, 16)]
                rv = rows_r[p, pl.ds(jj * 16, 16)]
                out_v[p, pl.ds(jj * 16, 16)] = lv * a + rv * b
                return 0

            lax.fori_loop(0, _D // 16, col_body, 0, unroll=4)
            return 0

        lax.fori_loop(0, _CHUNK, point_body, 0)
        pltpu.sync_copy(out_v, out_hbm.at[pl.ds(base + g * _CHUNK, _CHUNK)])
        return 0

    lax.fori_loop(0, _NCHUNK, chunk_body, 0)


@jax.jit
def kernel(ori, embeds):
    emb2d = embeds.reshape(_NUM_EMBED, _D)
    mesh = plsc.VectorSubcoreMesh(core_axis_name="c", subcore_axis_name="s")
    out = pl.kernel(
        _body,
        out_type=jax.ShapeDtypeStruct((_N, _D), jnp.float32),
        mesh=mesh,
        scratch_types=[
            pltpu.VMEM((_PPW,), jnp.float32),
            pltpu.VMEM((_PPW,), jnp.int32),
            pltpu.VMEM((_PPW,), jnp.int32),
            pltpu.VMEM((_PPW + 16,), jnp.float32),
            pltpu.VMEM((_PPW + 16,), jnp.float32),
            pltpu.VMEM((_CHUNK, _D), jnp.float32),
            pltpu.VMEM((_CHUNK, _D), jnp.float32),
            pltpu.VMEM((_CHUNK, _D), jnp.float32),
            pltpu.SemaphoreType.DMA,
        ],
    )(ori, emb2d)
    return out.reshape(_N, 16, 64)

# --- scband reference (transcript-rebuilt; emitter-appended) ---
"""Pipeline reference for scband-embedding-83494164234261 (READ-ONLY COPY).

The authoritative reference and input builder live on the scoring server;
editing this copy changes nothing except your own understanding.
"""

import math
import jax, jax.numpy as jnp
import numpy as np

NUM_EMBED = 8192
NUM_LAYER = 16
CH = 64
N = 65536

def setup_inputs(seed: int = 0) -> dict:
    key = jax.random.key(seed)
    k1, k2 = jax.random.split(key)
    ori = jax.random.uniform(k1, (N,), dtype=jnp.float32)  # values in [0,1) subset of [-1,1]
    embeds = jax.random.normal(k2, (NUM_EMBED, NUM_LAYER, CH), dtype=jnp.float32) / math.sqrt(CH)
    return {"ori": ori, "embeds": embeds}

def reference(ori, embeds):
    num_embed = embeds.shape[0]
    # wrap-around padding: [-1:] prepended, [:1] appended
    emb = jnp.concatenate([embeds[-1:], embeds, embeds[:1]], axis=0)
    o = (ori + 1.0) / 2.0 * num_embed
    t_value = jnp.arange(-1, num_embed + 1)
    right_idx = jnp.searchsorted(t_value, o, side='left')
    left_idx = right_idx - 1
    left_embed = emb[left_idx]
    right_embed = emb[right_idx]
    left_dis = o - t_value[left_idx].astype(o.dtype)
    right_dis = t_value[right_idx].astype(o.dtype) - o
    left_dis = jnp.clip(left_dis, 0.0, 1.0)[:, None, None]
    right_dis = jnp.clip(right_dis, 0.0, 1.0)[:, None, None]
    output = left_embed * right_dis + right_embed * left_dis
    return output

if __name__ == "__main__":
    import jax
    _d = setup_inputs()
    print(jax.jit(kernel)(*tuple(_d.values())))

</pallas_src>

<mosaic_0001>
#map = affine_map<(d0, d1) -> (0)>
#map1 = affine_map<(d0, d1) -> (0, 0)>
module attributes {stable_mosaic.version = 14 : i64} {
  func.func @_body(%arg0: i32, %arg1: i32, %arg2: memref<65536xf32, #tpu.memory_space<hbm>>, %arg3: memref<8192x1024xf32, #tpu.memory_space<hbm>>, %arg4: memref<65536x1024xf32, #tpu.memory_space<hbm>>, %arg5: memref<2048xf32, #tpu.memory_space<vmem>>, %arg6: memref<2048xi32, #tpu.memory_space<vmem>>, %arg7: memref<2048xi32, #tpu.memory_space<vmem>>, %arg8: memref<2064xf32, #tpu.memory_space<vmem>>, %arg9: memref<2064xf32, #tpu.memory_space<vmem>>, %arg10: memref<32x1024xf32, #tpu.memory_space<vmem>>, %arg11: memref<32x1024xf32, #tpu.memory_space<vmem>>, %arg12: memref<32x1024xf32, #tpu.memory_space<vmem>>, %arg13: memref<!tpu.dma_semaphore, #tpu.memory_space<semaphore_mem>>) attributes {dimension_semantics = [#tpu.dimension_semantics<core_parallel>, #tpu.dimension_semantics<subcore_parallel>], iteration_bounds = array<i64: 2, 16>, scalar_prefetch = 0 : i64, scratch_operands = 9 : i64, tpu.core_type = #tpu.core_type<sc_vector_subcore>, window_params = [{transform_indices = #map}, {transform_indices = #map1}, {transform_indices = #map1}]} {
    %mul3A = arith.constant 2 : i32
    %mul3A_0 = arith.muli %arg1, %mul3A : i32
    %add3A = arith.addi %mul3A_0, %arg0 : i32
    %mul3A_1 = arith.constant 2048 : i32
    %mul3A_2 = arith.muli %add3A, %mul3A_1 : i32
    "tpu.region"() ({
      %run_scoped3A = tpu.sem_alloc : memref<!tpu.dma_semaphore, #tpu.memory_space<semaphore_mem>>
      %dma_start3A = tpu.memref_slice %arg2[%mul3A_2] : memref<65536xf32, #tpu.memory_space<hbm>> -> memref<2048xf32, #tpu.memory_space<hbm>>
      %dma_start3A_16 = tpu.memref_slice %arg2[%mul3A_2] : memref<65536xf32, #tpu.memory_space<hbm>> -> memref<2048xf32, #tpu.memory_space<hbm>>
      tpu.enqueue_dma source(%dma_start3A_16 : memref<2048xf32, #tpu.memory_space<hbm>>) target(%arg5 : memref<2048xf32, #tpu.memory_space<vmem>>) target_semaphore(%run_scoped3A : memref<!tpu.dma_semaphore, #tpu.memory_space<semaphore_mem>>)
      %dma_wait3A = tpu.memref_slice %arg2[%mul3A_2] : memref<65536xf32, #tpu.memory_space<hbm>> -> memref<2048xf32, #tpu.memory_space<hbm>>
      %dma_wait3A_17 = tpu.memref_slice %arg2[%mul3A_2] : memref<65536xf32, #tpu.memory_space<hbm>> -> memref<2048xf32, #tpu.memory_space<hbm>>
      tpu.wait_dma2 semaphore(%run_scoped3A : memref<!tpu.dma_semaphore, #tpu.memory_space<semaphore_mem>>) src(%dma_wait3A_17 : memref<2048xf32, #tpu.memory_space<hbm>>) dst(%arg5 : memref<2048xf32, #tpu.memory_space<vmem>>)
      tpu.yield
    }) : () -> ()
    %scan3A = arith.constant 0 : i32
    %scan3A_3 = arith.constant 0 : i32
    %scan3A_4 = arith.constant 128 : i32
    %scan3A_5 = arith.addi %scan3A_3, %scan3A_4 : i32
    %scan3A_6 = arith.constant 4 : i32
    %scan3A_7 = scf.for %scan3A_16 = %scan3A_3 to %scan3A_5 step %scan3A_6 iter_args(%scan3A_17 = %scan3A) -> (i32)  : i32 {
      %mul3A_18 = arith.constant 16 : i32
      %mul3A_19 = arith.muli %scan3A_16, %mul3A_18 : i32
      %get3A = arith.index_cast %mul3A_19 : i32 to index
      %get3A_20 = tpu.vector_load %arg5[%get3A] {strides = array<i32>} : memref<2048xf32, #tpu.memory_space<vmem>>, vector<16xf32>,
      %get3A_21 = vector.shape_cast %get3A_20 : vector<16xf32> to vector<16xf32>
      %add3A_22 = arith.constant 1.000000e+00 : f32
      %add3A_23 = vector.broadcast %add3A_22 : f32 to vector<16xf32>
      %add3A_24 = arith.addf %get3A_21, %add3A_23 : vector<16xf32>
      %mul3A_25 = arith.constant 4.096000e+03 : f32
      %mul3A_26 = vector.broadcast %mul3A_25 : f32 to vector<16xf32>
      %mul3A_27 = arith.mulf %add3A_24, %mul3A_26 : vector<16xf32>
      %convert_element_type3A = arith.fptosi %mul3A_27 : vector<16xf32> to vector<16xi32>
      %convert_element_type3A_28 = arith.sitofp %convert_element_type3A : vector<16xi32> to vector<16xf32>
      %gt3A = arith.cmpf ogt, %mul3A_27, %convert_element_type3A_28 : vector<16xf32>
      %add3A_29 = arith.constant 1.000000e+00 : f32
      %add3A_30 = vector.broadcast %add3A_29 : f32 to vector<16xf32>
      %add3A_31 = arith.addf %convert_element_type3A_28, %add3A_30 : vector<16xf32>
      %select_n3A = arith.select %gt3A, %add3A_31, %convert_element_type3A_28 : vector<16xi1>, vector<16xf32>
      %convert_element_type3A_32 = arith.fptosi %select_n3A : vector<16xf32> to vector<16xi32>
      %sub3A = arith.constant 1 : i32
      %sub3A_33 = vector.broadcast %sub3A : i32 to vector<16xi32>
      %sub3A_34 = arith.subi %convert_element_type3A_32, %sub3A_33 : vector<16xi32>
      %mul3A_35 = arith.constant 16 : i32
      %mul3A_36 = arith.muli %scan3A_16, %mul3A_35 : i32
      %swap3A = arith.index_cast %mul3A_36 : i32 to index
      %swap3A_37 = tpu.vector_load %arg6[%swap3A] {strides = array<i32>} : memref<2048xi32, #tpu.memory_space<vmem>>, vector<16xi32>,
      %swap3A_38 = vector.shape_cast %swap3A_37 : vector<16xi32> to vector<16xi32>
      %swap3A_39 = vector.shape_cast %sub3A_34 : vector<16xi32> to vector<16xi32>
      tpu.vector_store %arg6[%swap3A], %swap3A_39 {strides = array<i32>} : memref<2048xi32, #tpu.memory_space<vmem>>, vector<16xi32>,
      %and3A = arith.constant 8191 : i32
      %and3A_40 = vector.broadcast %and3A : i32 to vector<16xi32>
      %and3A_41 = arith.andi %convert_element_type3A_32, %and3A_40 : vector<16xi32>
      %mul3A_42 = arith.constant 16 : i32
      %mul3A_43 = arith.muli %scan3A_16, %mul3A_42 : i32
      %swap3A_44 = arith.index_cast %mul3A_43 : i32 to index
      %swap3A_45 = tpu.vector_load %arg7[%swap3A_44] {strides = array<i32>} : memref<2048xi32, #tpu.memory_space<vmem>>, vector<16xi32>,
      %swap3A_46 = vector.shape_cast %swap3A_45 : vector<16xi32> to vector<16xi32>
      %swap3A_47 = vector.shape_cast %and3A_41 : vector<16xi32> to vector<16xi32>
      tpu.vector_store %arg7[%swap3A_44], %swap3A_47 {strides = array<i32>} : memref<2048xi32, #tpu.memory_space<vmem>>, vector<16xi32>,
      %sub3A_48 = arith.subf %select_n3A, %mul3A_27 : vector<16xf32>
      %mul3A_49 = arith.constant 16 : i32
      %mul3A_50 = arith.muli %scan3A_16, %mul3A_49 : i32
      %swap3A_51 = arith.index_cast %mul3A_50 : i32 to index
      %swap3A_52 = tpu.vector_load %arg8[%swap3A_51] {strides = array<i32>} : memref<2064xf32, #tpu.memory_space<vmem>>, vector<16xf32>,
      %swap3A_53 = vector.shape_cast %swap3A_52 : vector<16xf32> to vector<16xf32>
      %swap3A_54 = vector.shape_cast %sub3A_48 : vector<16xf32> to vector<16xf32>
      tpu.vector_store %arg8[%swap3A_51], %swap3A_54 {strides = array<i32>} : memref<2064xf32, #tpu.memory_space<vmem>>, vector<16xf32>,
      %sub3A_55 = arith.constant 1.000000e+00 : f32
      %sub3A_56 = vector.broadcast %sub3A_55 : f32 to vector<16xf32>
      %sub3A_57 = arith.subf %select_n3A, %sub3A_56 : vector<16xf32>
      %sub3A_58 = arith.subf %mul3A_27, %sub3A_57 : vector<16xf32>
      %mul3A_59 = arith.constant 16 : i32
      %mul3A_60 = arith.muli %scan3A_16, %mul3A_59 : i32
      %swap3A_61 = arith.index_cast %mul3A_60 : i32 to index
      %swap3A_62 = tpu.vector_load %arg9[%swap3A_61] {strides = array<i32>} : memref<2064xf32, #tpu.memory_space<vmem>>, vector<16xf32>,
      %swap3A_63 = vector.shape_cast %swap3A_62 : vector<16xf32> to vector<16xf32>
      %swap3A_64 = vector.shape_cast %sub3A_58 : vector<16xf32> to vector<16xf32>
      tpu.vector_store %arg9[%swap3A_61], %swap3A_64 {strides = array<i32>} : memref<2064xf32, #tpu.memory_space<vmem>>, vector<16xf32>,
      %scan3A_65 = arith.constant 0 : i32
      %scan3A_66 = arith.constant 1 : i32
      %scan3A_67 = arith.addi %scan3A_16, %scan3A_66 : i32
      %mul3A_68 = arith.constant 16 : i32
      %mul3A_69 = arith.muli %scan3A_67, %mul3A_68 : i32
      %get3A_70 = arith.index_cast %mul3A_69 : i32 to index
      %get3A_71 = tpu.vector_load %arg5[%get3A_70] {strides = array<i32>} : memref<2048xf32, #tpu.memory_space<vmem>>, vector<16xf32>,
      %get3A_72 = vector.shape_cast %get3A_71 : vector<16xf32> to vector<16xf32>
      %add3A_73 = arith.constant 1.000000e+00 : f32
      %add3A_74 = vector.broadcast %add3A_73 : f32 to vector<16xf32>
      %add3A_75 = arith.addf %get3A_72, %add3A_74 : vector<16xf32>
      %mul3A_76 = arith.constant 4.096000e+03 : f32
      %mul3A_77 = vector.broadcast %mul3A_76 : f32 to vector<16xf32>
      %mul3A_78 = arith.mulf %add3A_75, %mul3A_77 : vector<16xf32>
      %convert_element_type3A_79 = arith.fptosi %mul3A_78 : vector<16xf32> to vector<16xi32>
      %convert_element_type3A_80 = arith.sitofp %convert_element_type3A_79 : vector<16xi32> to vector<16xf32>
      %gt3A_81 = arith.cmpf ogt, %mul3A_78, %convert_element_type3A_80 : vector<16xf32>
      %add3A_82 = arith.constant 1.000000e+00 : f32
      %add3A_83 = vector.broadcast %add3A_82 : f32 to vector<16xf32>
      %add3A_84 = arith.addf %convert_element_type3A_80, %add3A_83 : vector<16xf32>
      %select_n3A_85 = arith.select %gt3A_81, %add3A_84, %convert_element_type3A_80 : vector<16xi1>, vector<16xf32>
      %convert_element_type3A_86 = arith.fptosi %select_n3A_85 : vector<16xf32> to vector<16xi32>
      %sub3A_87 = arith.constant 1 : i32
      %sub3A_88 = vector.broadcast %sub3A_87 : i32 to vector<16xi32>
      %sub3A_89 = arith.subi %convert_element_type3A_86, %sub3A_88 : vector<16xi32>
      %mul3A_90 = arith.constant 16 : i32
      %mul3A_91 = arith.muli %scan3A_67, %mul3A_90 : i32
      %swap3A_92 = arith.index_cast %mul3A_91 : i32 to index
      %swap3A_93 = tpu.vector_load %arg6[%swap3A_92] {strides = array<i32>} : memref<2048xi32, #tpu.memory_space<vmem>>, vector<16xi32>,
      %swap3A_94 = vector.shape_cast %swap3A_93 : vector<16xi32> to vector<16xi32>
      %swap3A_95 = vector.shape_cast %sub3A_89 : vector<16xi32> to vector<16xi32>
      tpu.vector_store %arg6[%swap3A_92], %swap3A_95 {strides = array<i32>} : memref<2048xi32, #tpu.memory_space<vmem>>, vector<16xi32>,
      %and3A_96 = arith.constant 8191 : i32
      %and3A_97 = vector.broadcast %and3A_96 : i32 to vector<16xi32>
      %and3A_98 = arith.andi %convert_element_type3A_86, %and3A_97 : vector<16xi32>
      %mul3A_99 = arith.constant 16 : i32
      %mul3A_100 = arith.muli %scan3A_67, %mul3A_99 : i32
      %swap3A_101 = arith.index_cast %mul3A_100 : i32 to index
      %swap3A_102 = tpu.vector_load %arg7[%swap3A_101] {strides = array<i32>} : memref<2048xi32, #tpu.memory_space<vmem>>, vector<16xi32>,
      %swap3A_103 = vector.shape_cast %swap3A_102 : vector<16xi32> to vector<16xi32>
      %swap3A_104 = vector.shape_cast %and3A_98 : vector<16xi32> to vector<16xi32>
      tpu.vector_store %arg7[%swap3A_101], %swap3A_104 {strides = array<i32>} : memref<2048xi32, #tpu.memory_space<vmem>>, vector<16xi32>,
      %sub3A_105 = arith.subf %select_n3A_85, %mul3A_78 : vector<16xf32>
      %mul3A_106 = arith.constant 16 : i32
      %mul3A_107 = arith.muli %scan3A_67, %mul3A_106 : i32
      %swap3A_108 = arith.index_cast %mul3A_107 : i32 to index
      %swap3A_109 = tpu.vector_load %arg8[%swap3A_108] {strides = array<i32>} : memref<2064xf32, #tpu.memory_space<vmem>>, vector<16xf32>,
      %swap3A_110 = vector.shape_cast %swap3A_109 : vector<16xf32> to vector<16xf32>
      %swap3A_111 = vector.shape_cast %sub3A_105 : vector<16xf32> to vector<16xf32>
      tpu.vector_store %arg8[%swap3A_108], %swap3A_111 {strides = array<i32>} : memref<2064xf32, #tpu.memory_space<vmem>>, vector<16xf32>,
      %sub3A_112 = arith.constant 1.000000e+00 : f32
      %sub3A_113 = vector.broadcast %sub3A_112 : f32 to vector<16xf32>
      %sub3A_114 = arith.subf %select_n3A_85, %sub3A_113 : vector<16xf32>
      %sub3A_115 = arith.subf %mul3A_78, %sub3A_114 : vector<16xf32>
      %mul3A_116 = arith.constant 16 : i32
      %mul3A_117 = arith.muli %scan3A_67, %mul3A_116 : i32
      %swap3A_118 = arith.index_cast %mul3A_117 : i32 to index
      %swap3A_119 = tpu.vector_load %arg9[%swap3A_118] {strides = array<i32>} : memref<2064xf32, #tpu.memory_space<vmem>>, vector<16xf32>,
      %swap3A_120 = vector.shape_cast %swap3A_119 : vector<16xf32> to vector<16xf32>
      %swap3A_121 = vector.shape_cast %sub3A_115 : vector<16xf32> to vector<16xf32>
      tpu.vector_store %arg9[%swap3A_118], %swap3A_121 {strides = array<i32>} : memref<2064xf32, #tpu.memory_space<vmem>>, vector<16xf32>,
      %scan3A_122 = arith.constant 0 : i32
      %scan3A_123 = arith.constant 2 : i32
      %scan3A_124 = arith.addi %scan3A_16, %scan3A_123 : i32
      %mul3A_125 = arith.constant 16 : i32
      %mul3A_126 = arith.muli %scan3A_124, %mul3A_125 : i32
      %get3A_127 = arith.index_cast %mul3A_126 : i32 to index
      %get3A_128 = tpu.vector_load %arg5[%get3A_127] {strides = array<i32>} : memref<2048xf32, #tpu.memory_space<vmem>>, vector<16xf32>,
      %get3A_129 = vector.shape_cast %get3A_128 : vector<16xf32> to vector<16xf32>
      %add3A_130 = arith.constant 1.000000e+00 : f32
      %add3A_131 = vector.broadcast %add3A_130 : f32 to vector<16xf32>
      %add3A_132 = arith.addf %get3A_129, %add3A_131 : vector<16xf32>
      %mul3A_133 = arith.constant 4.096000e+03 : f32
      %mul3A_134 = vector.broadcast %mul3A_133 : f32 to vector<16xf32>
      %mul3A_135 = arith.mulf %add3A_132, %mul3A_134 : vector<16xf32>
      %convert_element_type3A_136 = arith.fptosi %mul3A_135 : vector<16xf32> to vector<16xi32>
      %convert_element_type3A_137 = arith.sitofp %convert_element_type3A_136 : vector<16xi32> to vector<16xf32>
      %gt3A_138 = arith.cmpf ogt, %mul3A_135, %convert_element_type3A_137 : vector<16xf32>
      %add3A_139 = arith.constant 1.000000e+00 : f32
      %add3A_140 = vector.broadcast %add3A_139 : f32 to vector<16xf32>
      %add3A_141 = arith.addf %convert_element_type3A_137, %add3A_140 : vector<16xf32>
      %select_n3A_142 = arith.select %gt3A_138, %add3A_141, %convert_element_type3A_137 : vector<16xi1>, vector<16xf32>
      %convert_element_type3A_143 = arith.fptosi %select_n3A_142 : vector<16xf32> to vector<16xi32>
      %sub3A_144 = arith.constant 1 : i32
      %sub3A_145 = vector.broadcast %sub3A_144 : i32 to vector<16xi32>
      %sub3A_146 = arith.subi %convert_element_type3A_143, %sub3A_145 : vector<16xi32>
      %mul3A_147 = arith.constant 16 : i32
      %mul3A_148 = arith.muli %scan3A_124, %mul3A_147 : i32
      %swap3A_149 = arith.index_cast %mul3A_148 : i32 to index
      %swap3A_150 = tpu.vector_load %arg6[%swap3A_149] {strides = array<i32>} : memref<2048xi32, #tpu.memory_space<vmem>>, vector<16xi32>,
      %swap3A_151 = vector.shape_cast %swap3A_150 : vector<16xi32> to vector<16xi32>
      %swap3A_152 = vector.shape_cast %sub3A_146 : vector<16xi32> to vector<16xi32>
      tpu.vector_store %arg6[%swap3A_149], %swap3A_152 {strides = array<i32>} : memref<2048xi32, #tpu.memory_space<vmem>>, vector<16xi32>,
      %and3A_153 = arith.constant 8191 : i32
      %and3A_154 = vector.broadcast %and3A_153 : i32 to vector<16xi32>
      %and3A_155 = arith.andi %convert_element_type3A_143, %and3A_154 : vector<16xi32>
      %mul3A_156 = arith.constant 16 : i32
      %mul3A_157 = arith.muli %scan3A_124, %mul3A_156 : i32
      %swap3A_158 = arith.index_cast %mul3A_157 : i32 to index
      %swap3A_159 = tpu.vector_load %arg7[%swap3A_158] {strides = array<i32>} : memref<2048xi32, #tpu.memory_space<vmem>>, vector<16xi32>,
      %swap3A_160 = vector.shape_cast %swap3A_159 : vector<16xi32> to vector<16xi32>
      %swap3A_161 = vector.shape_cast %and3A_155 : vector<16xi32> to vector<16xi32>
      tpu.vector_store %arg7[%swap3A_158], %swap3A_161 {strides = array<i32>} : memref<2048xi32, #tpu.memory_space<vmem>>, vector<16xi32>,
      %sub3A_162 = arith.subf %select_n3A_142, %mul3A_135 : vector<16xf32>
      %mul3A_163 = arith.constant 16 : i32
      %mul3A_164 = arith.muli %scan3A_124, %mul3A_163 : i32
      %swap3A_165 = arith.index_cast %mul3A_164 : i32 to index
      %swap3A_166 = tpu.vector_load %arg8[%swap3A_165] {strides = array<i32>} : memref<2064xf32, #tpu.memory_space<vmem>>, vector<16xf32>,
      %swap3A_167 = vector.shape_cast %swap3A_166 : vector<16xf32> to vector<16xf32>
      %swap3A_168 = vector.shape_cast %sub3A_162 : vector<16xf32> to vector<16xf32>
      tpu.vector_store %arg8[%swap3A_165], %swap3A_168 {strides = array<i32>} : memref<2064xf32, #tpu.memory_space<vmem>>, vector<16xf32>,
      %sub3A_169 = arith.constant 1.000000e+00 : f32
      %sub3A_170 = vector.broadcast %sub3A_169 : f32 to vector<16xf32>
      %sub3A_171 = arith.subf %select_n3A_142, %sub3A_170 : vector<16xf32>
      %sub3A_172 = arith.subf %mul3A_135, %sub3A_171 : vector<16xf32>
      %mul3A_173 = arith.constant 16 : i32
      %mul3A_174 = arith.muli %scan3A_124, %mul3A_173 : i32
      %swap3A_175 = arith.index_cast %mul3A_174 : i32 to index
      %swap3A_176 = tpu.vector_load %arg9[%swap3A_175] {strides = array<i32>} : memref<2064xf32, #tpu.memory_space<vmem>>, vector<16xf32>,
      %swap3A_177 = vector.shape_cast %swap3A_176 : vector<16xf32> to vector<16xf32>
      %swap3A_178 = vector.shape_cast %sub3A_172 : vector<16xf32> to vector<16xf32>
      tpu.vector_store %arg9[%swap3A_175], %swap3A_178 {strides = array<i32>} : memref<2064xf32, #tpu.memory_space<vmem>>, vector<16xf32>,
      %scan3A_179 = arith.constant 0 : i32
      %scan3A_180 = arith.constant 3 : i32
      %scan3A_181 = arith.addi %scan3A_16, %scan3A_180 : i32
      %mul3A_182 = arith.constant 16 : i32
      %mul3A_183 = arith.muli %scan3A_181, %mul3A_182 : i32
      %get3A_184 = arith.index_cast %mul3A_183 : i32 to index
      %get3A_185 = tpu.vector_load %arg5[%get3A_184] {strides = array<i32>} : memref<2048xf32, #tpu.memory_space<vmem>>, vector<16xf32>,
      %get3A_186 = vector.shape_cast %get3A_185 : vector<16xf32> to vector<16xf32>
      %add3A_187 = arith.constant 1.000000e+00 : f32
      %add3A_188 = vector.broadcast %add3A_187 : f32 to vector<16xf32>
      %add3A_189 = arith.addf %get3A_186, %add3A_188 : vector<16xf32>
      %mul3A_190 = arith.constant 4.096000e+03 : f32
      %mul3A_191 = vector.broadcast %mul3A_190 : f32 to vector<16xf32>
      %mul3A_192 = arith.mulf %add3A_189, %mul3A_191 : vector<16xf32>
      %convert_element_type3A_193 = arith.fptosi %mul3A_192 : vector<16xf32> to vector<16xi32>
      %convert_element_type3A_194 = arith.sitofp %convert_element_type3A_193 : vector<16xi32> to vector<16xf32>
      %gt3A_195 = arith.cmpf ogt, %mul3A_192, %convert_element_type3A_194 : vector<16xf32>
      %add3A_196 = arith.constant 1.000000e+00 : f32
      %add3A_197 = vector.broadcast %add3A_196 : f32 to vector<16xf32>
      %add3A_198 = arith.addf %convert_element_type3A_194, %add3A_197 : vector<16xf32>
      %select_n3A_199 = arith.select %gt3A_195, %add3A_198, %convert_element_type3A_194 : vector<16xi1>, vector<16xf32>
      %convert_element_type3A_200 = arith.fptosi %select_n3A_199 : vector<16xf32> to vector<16xi32>
      %sub3A_201 = arith.constant 1 : i32
      %sub3A_202 = vector.broadcast %sub3A_201 : i32 to vector<16xi32>
      %sub3A_203 = arith.subi %convert_element_type3A_200, %sub3A_202 : vector<16xi32>
      %mul3A_204 = arith.constant 16 : i32
      %mul3A_205 = arith.muli %scan3A_181, %mul3A_204 : i32
      %swap3A_206 = arith.index_cast %mul3A_205 : i32 to index
      %swap3A_207 = tpu.vector_load %arg6[%swap3A_206] {strides = array<i32>} : memref<2048xi32, #tpu.memory_space<vmem>>, vector<16xi32>,
      %swap3A_208 = vector.shape_cast %swap3A_207 : vector<16xi32> to vector<16xi32>
      %swap3A_209 = vector.shape_cast %sub3A_203 : vector<16xi32> to vector<16xi32>
      tpu.vector_store %arg6[%swap3A_206], %swap3A_209 {strides = array<i32>} : memref<2048xi32, #tpu.memory_space<vmem>>, vector<16xi32>,
      %and3A_210 = arith.constant 8191 : i32
      %and3A_211 = vector.broadcast %and3A_210 : i32 to vector<16xi32>
      %and3A_212 = arith.andi %convert_element_type3A_200, %and3A_211 : vector<16xi32>
      %mul3A_213 = arith.constant 16 : i32
      %mul3A_214 = arith.muli %scan3A_181, %mul3A_213 : i32
      %swap3A_215 = arith.index_cast %mul3A_214 : i32 to index
      %swap3A_216 = tpu.vector_load %arg7[%swap3A_215] {strides = array<i32>} : memref<2048xi32, #tpu.memory_space<vmem>>, vector<16xi32>,
      %swap3A_217 = vector.shape_cast %swap3A_216 : vector<16xi32> to vector<16xi32>
      %swap3A_218 = vector.shape_cast %and3A_212 : vector<16xi32> to vector<16xi32>
      tpu.vector_store %arg7[%swap3A_215], %swap3A_218 {strides = array<i32>} : memref<2048xi32, #tpu.memory_space<vmem>>, vector<16xi32>,
      %sub3A_219 = arith.subf %select_n3A_199, %mul3A_192 : vector<16xf32>
      %mul3A_220 = arith.constant 16 : i32
      %mul3A_221 = arith.muli %scan3A_181, %mul3A_220 : i32
      %swap3A_222 = arith.index_cast %mul3A_221 : i32 to index
      %swap3A_223 = tpu.vector_load %arg8[%swap3A_222] {strides = array<i32>} : memref<2064xf32, #tpu.memory_space<vmem>>, vector<16xf32>,
      %swap3A_224 = vector.shape_cast %swap3A_223 : vector<16xf32> to vector<16xf32>
      %swap3A_225 = vector.shape_cast %sub3A_219 : vector<16xf32> to vector<16xf32>
      tpu.vector_store %arg8[%swap3A_222], %swap3A_225 {strides = array<i32>} : memref<2064xf32, #tpu.memory_space<vmem>>, vector<16xf32>,
      %sub3A_226 = arith.constant 1.000000e+00 : f32
      %sub3A_227 = vector.broadcast %sub3A_226 : f32 to vector<16xf32>
      %sub3A_228 = arith.subf %select_n3A_199, %sub3A_227 : vector<16xf32>
      %sub3A_229 = arith.subf %mul3A_192, %sub3A_228 : vector<16xf32>
      %mul3A_230 = arith.constant 16 : i32
      %mul3A_231 = arith.muli %scan3A_181, %mul3A_230 : i32
      %swap3A_232 = arith.index_cast %mul3A_231 : i32 to index
      %swap3A_233 = tpu.vector_load %arg9[%swap3A_232] {strides = array<i32>} : memref<2064xf32, #tpu.memory_space<vmem>>, vector<16xf32>,
      %swap3A_234 = vector.shape_cast %swap3A_233 : vector<16xf32> to vector<16xf32>
      %swap3A_235 = vector.shape_cast %sub3A_229 : vector<16xf32> to vector<16xf32>
      tpu.vector_store %arg9[%swap3A_232], %swap3A_235 {strides = array<i32>} : memref<2064xf32, #tpu.memory_space<vmem>>, vector<16xf32>,
      %scan3A_236 = arith.constant 0 : i32
      scf.yield %scan3A_236 : i32
    }
    %scan3A_8 = arith.constant 128 : i32
    %scan3A_9 = arith.constant 0 : i32
    %scan3A_10 = arith.constant 0 : i32
    %scan3A_11 = arith.constant 64 : i32
    %scan3A_12 = arith.addi %scan3A_10, %scan3A_11 : i32
    %scan3A_13 = arith.constant 1 : i32
    %scan3A_14 = scf.for %scan3A_16 = %scan3A_10 to %scan3A_12 step %scan3A_13 iter_args(%scan3A_17 = %scan3A_9) -> (i32)  : i32 {
      %mul3A_18 = arith.constant 32 : i32
      %mul3A_19 = arith.muli %scan3A_16, %mul3A_18 : i32
      %dma_start3A = tpu.memref_slice %arg6[%mul3A_19] : memref<2048xi32, #tpu.memory_space<vmem>> -> memref<32xi32, #tpu.memory_space<vmem>>
      %dma_start3A_20 = arith.constant 0 : i32
      %dma_start3A_21 = arith.constant 0 : i32
      %dma_start3A_22 = tpu.memref_slice %arg3[%dma_start3A_20, %dma_start3A_21] : memref<8192x1024xf32, #tpu.memory_space<hbm>> -> memref<8192x1024xf32, #tpu.memory_space<hbm>>
      tpu.enqueue_indirect_dma source(%dma_start3A_22 : memref<8192x1024xf32, #tpu.memory_space<hbm>>) target(%arg10 : memref<32x1024xf32, #tpu.memory_space<vmem>>) offsets(%dma_start3A : memref<32xi32, #tpu.memory_space<vmem>>) semaphore(%arg13 : memref<!tpu.dma_semaphore, #tpu.memory_space<semaphore_mem>>)
      %mul3A_23 = arith.constant 32 : i32
      %mul3A_24 = arith.muli %scan3A_16, %mul3A_23 : i32
      %dma_start3A_25 = tpu.memref_slice %arg7[%mul3A_24] : memref<2048xi32, #tpu.memory_space<vmem>> -> memref<32xi32, #tpu.memory_space<vmem>>
      %dma_start3A_26 = arith.constant 0 : i32
      %dma_start3A_27 = arith.constant 0 : i32
      %dma_start3A_28 = tpu.memref_slice %arg3[%dma_start3A_26, %dma_start3A_27] : memref<8192x1024xf32, #tpu.memory_space<hbm>> -> memref<8192x1024xf32, #tpu.memory_space<hbm>>
      tpu.enqueue_indirect_dma source(%dma_start3A_28 : memref<8192x1024xf32, #tpu.memory_space<hbm>>) target(%arg11 : memref<32x1024xf32, #tpu.memory_space<vmem>>) offsets(%dma_start3A_25 : memref<32xi32, #tpu.memory_space<vmem>>) semaphore(%arg13 : memref<!tpu.dma_semaphore, #tpu.memory_space<semaphore_mem>>)
      %dma_wait3A = tpu.memref_slice %arg6[%mul3A_19] : memref<2048xi32, #tpu.memory_space<vmem>> -> memref<32xi32, #tpu.memory_space<vmem>>
      %dma_wait3A_29 = arith.constant 0 : i32
      %dma_wait3A_30 = arith.constant 0 : i32
      %dma_wait3A_31 = tpu.memref_slice %arg3[%dma_wait3A_29, %dma_wait3A_30] : memref<8192x1024xf32, #tpu.memory_space<hbm>> -> memref<8192x1024xf32, #tpu.memory_space<hbm>>
      tpu.wait_indirect_dma semaphore(%arg13 : memref<!tpu.dma_semaphore, #tpu.memory_space<semaphore_mem>>) src(%dma_wait3A_31 : memref<8192x1024xf32, #tpu.memory_space<hbm>>) dst(%arg10 : memref<32x1024xf32, #tpu.memory_space<vmem>>)
      %dma_wait3A_32 = tpu.memref_slice %arg7[%mul3A_24] : memref<2048xi32, #tpu.memory_space<vmem>> -> memref<32xi32, #tpu.memory_space<vmem>>
      %dma_wait3A_33 = arith.constant 0 : i32
      %dma_wait3A_34 = arith.constant 0 : i32
      %dma_wait3A_35 = tpu.memref_slice %arg3[%dma_wait3A_33, %dma_wait3A_34] : memref<8192x1024xf32, #tpu.memory_space<hbm>> -> memref<8192x1024xf32, #tpu.memory_space<hbm>>
      tpu.wait_indirect_dma semaphore(%arg13 : memref<!tpu.dma_semaphore, #tpu.memory_space<semaphore_mem>>) src(%dma_wait3A_35 : memref<8192x1024xf32, #tpu.memory_space<hbm>>) dst(%arg11 : memref<32x1024xf32, #tpu.memory_space<vmem>>)
      %scan3A_36 = arith.constant 0 : i32
      %scan3A_37 = arith.constant 0 : i32
      %scan3A_38 = arith.constant 32 : i32
      %scan3A_39 = arith.addi %scan3A_37, %scan3A_38 : i32
      %scan3A_40 = arith.constant 1 : i32
      %scan3A_41 = scf.for %scan3A_47 = %scan3A_37 to %scan3A_39 step %scan3A_40 iter_args(%scan3A_48 = %scan3A_36) -> (i32)  : i32 {
        %mul3A_49 = arith.constant 32 : i32
        %mul3A_50 = arith.muli %scan3A_16, %mul3A_49 : i32
        %add3A_51 = arith.addi %mul3A_50, %scan3A_47 : i32
        %get3A = arith.index_cast %add3A_51 : i32 to index
        %get3A_52 = tpu.vector_load %arg8[%get3A] {strides = array<i32>} : memref<2064xf32, #tpu.memory_space<vmem>>, vector<16xf32>,
        %get3A_53 = vector.shape_cast %get3A_52 : vector<16xf32> to vector<16xf32>
        %slice3A = vector.extract_strided_slice %get3A_53 {offsets = [0], sizes = [1], strides = [1]} : vector<16xf32> to vector<1xf32>
        %squeeze3A = vector.extract %slice3A[0] : f32 from vector<1xf32>
        %broadcast_in_dim3A = vector.broadcast %squeeze3A : f32 to vector<16xf32>
        %mul3A_54 = arith.constant 32 : i32
        %mul3A_55 = arith.muli %scan3A_16, %mul3A_54 : i32
        %add3A_56 = arith.addi %mul3A_55, %scan3A_47 : i32
        %get3A_57 = arith.index_cast %add3A_56 : i32 to index
        %get3A_58 = tpu.vector_load %arg9[%get3A_57] {strides = array<i32>} : memref<2064xf32, #tpu.memory_space<vmem>>, vector<16xf32>,
        %get3A_59 = vector.shape_cast %get3A_58 : vector<16xf32> to vector<16xf32>
        %slice3A_60 = vector.extract_strided_slice %get3A_59 {offsets = [0], sizes = [1], strides = [1]} : vector<16xf32> to vector<1xf32>
        %squeeze3A_61 = vector.extract %slice3A_60[0] : f32 from vector<1xf32>
        %broadcast_in_dim3A_62 = vector.broadcast %squeeze3A_61 : f32 to vector<16xf32>
        %scan3A_63 = arith.constant 0 : i32
        %scan3A_64 = arith.constant 0 : i32
        %scan3A_65 = arith.constant 64 : i32
        %scan3A_66 = arith.addi %scan3A_64, %scan3A_65 : i32
        %scan3A_67 = arith.constant 4 : i32
        %scan3A_68 = scf.for %scan3A_71 = %scan3A_64 to %scan3A_66 step %scan3A_67 iter_args(%scan3A_72 = %scan3A_63) -> (i32)  : i32 {
          %mul3A_73 = arith.constant 16 : i32
          %mul3A_74 = arith.muli %scan3A_71, %mul3A_73 : i32
          %get3A_75 = arith.index_cast %scan3A_47 : i32 to index
          %get3A_76 = arith.index_cast %mul3A_74 : i32 to index
          %get3A_77 = tpu.vector_load %arg10[%get3A_75, %get3A_76] {strides = array<i32>} : memref<32x1024xf32, #tpu.memory_space<vmem>>, vector<1x16xf32>,
          %get3A_78 = vector.shape_cast %get3A_77 : vector<1x16xf32> to vector<16xf32>
          %mul3A_79 = arith.constant 16 : i32
          %mul3A_80 = arith.muli %scan3A_71, %mul3A_79 : i32
          %get3A_81 = arith.index_cast %scan3A_47 : i32 to index
          %get3A_82 = arith.index_cast %mul3A_80 : i32 to index
          %get3A_83 = tpu.vector_load %arg11[%get3A_81, %get3A_82] {strides = array<i32>} : memref<32x1024xf32, #tpu.memory_space<vmem>>, vector<1x16xf32>,
          %get3A_84 = vector.shape_cast %get3A_83 : vector<1x16xf32> to vector<16xf32>
          %mul3A_85 = arith.mulf %get3A_78, %broadcast_in_dim3A : vector<16xf32>
          %mul3A_86 = arith.mulf %get3A_84, %broadcast_in_dim3A_62 : vector<16xf32>
          %add3A_87 = arith.addf %mul3A_85, %mul3A_86 : vector<16xf32>
          %mul3A_88 = arith.constant 16 : i32
          %mul3A_89 = arith.muli %scan3A_71, %mul3A_88 : i32
          %swap3A = arith.index_cast %scan3A_47 : i32 to index
          %swap3A_90 = arith.index_cast %mul3A_89 : i32 to index
          %swap3A_91 = tpu.vector_load %arg12[%swap3A, %swap3A_90] {strides = array<i32>} : memref<32x1024xf32, #tpu.memory_space<vmem>>, vector<1x16xf32>,
          %swap3A_92 = vector.shape_cast %swap3A_91 : vector<1x16xf32> to vector<16xf32>
          %swap3A_93 = vector.shape_cast %add3A_87 : vector<16xf32> to vector<1x16xf32>
          tpu.vector_store %arg12[%swap3A, %swap3A_90], %swap3A_93 {strides = array<i32>} : memref<32x1024xf32, #tpu.memory_space<vmem>>, vector<1x16xf32>,
          %scan3A_94 = arith.constant 0 : i32
          %scan3A_95 = arith.constant 1 : i32
          %scan3A_96 = arith.addi %scan3A_71, %scan3A_95 : i32
          %mul3A_97 = arith.constant 16 : i32
          %mul3A_98 = arith.muli %scan3A_96, %mul3A_97 : i32
          %get3A_99 = arith.index_cast %scan3A_47 : i32 to index
          %get3A_100 = arith.index_cast %mul3A_98 : i32 to index
          %get3A_101 = tpu.vector_load %arg10[%get3A_99, %get3A_100] {strides = array<i32>} : memref<32x1024xf32, #tpu.memory_space<vmem>>, vector<1x16xf32>,
          %get3A_102 = vector.shape_cast %get3A_101 : vector<1x16xf32> to vector<16xf32>
          %mul3A_103 = arith.constant 16 : i32
          %mul3A_104 = arith.muli %scan3A_96, %mul3A_103 : i32
          %get3A_105 = arith.index_cast %scan3A_47 : i32 to index
          %get3A_106 = arith.index_cast %mul3A_104 : i32 to index
          %get3A_107 = tpu.vector_load %arg11[%get3A_105, %get3A_106] {strides = array<i32>} : memref<32x1024xf32, #tpu.memory_space<vmem>>, vector<1x16xf32>,
          %get3A_108 = vector.shape_cast %get3A_107 : vector<1x16xf32> to vector<16xf32>
          %mul3A_109 = arith.mulf %get3A_102, %broadcast_in_dim3A : vector<16xf32>
          %mul3A_110 = arith.mulf %get3A_108, %broadcast_in_dim3A_62 : vector<16xf32>
          %add3A_111 = arith.addf %mul3A_109, %mul3A_110 : vector<16xf32>
          %mul3A_112 = arith.constant 16 : i32
          %mul3A_113 = arith.muli %scan3A_96, %mul3A_112 : i32
          %swap3A_114 = arith.index_cast %scan3A_47 : i32 to index
          %swap3A_115 = arith.index_cast %mul3A_113 : i32 to index
          %swap3A_116 = tpu.vector_load %arg12[%swap3A_114, %swap3A_115] {strides = array<i32>} : memref<32x1024xf32, #tpu.memory_space<vmem>>, vector<1x16xf32>,
          %swap3A_117 = vector.shape_cast %swap3A_116 : vector<1x16xf32> to vector<16xf32>
          %swap3A_118 = vector.shape_cast %add3A_111 : vector<16xf32> to vector<1x16xf32>
          tpu.vector_store %arg12[%swap3A_114, %swap3A_115], %swap3A_118 {strides = array<i32>} : memref<32x1024xf32, #tpu.memory_space<vmem>>, vector<1x16xf32>,
          %scan3A_119 = arith.constant 0 : i32
          %scan3A_120 = arith.constant 2 : i32
          %scan3A_121 = arith.addi %scan3A_71, %scan3A_120 : i32
          %mul3A_122 = arith.constant 16 : i32
          %mul3A_123 = arith.muli %scan3A_121, %mul3A_122 : i32
          %get3A_124 = arith.index_cast %scan3A_47 : i32 to index
          %get3A_125 = arith.index_cast %mul3A_123 : i32 to index
          %get3A_126 = tpu.vector_load %arg10[%get3A_124, %get3A_125] {strides = array<i32>} : memref<32x1024xf32, #tpu.memory_space<vmem>>, vector<1x16xf32>,
          %get3A_127 = vector.shape_cast %get3A_126 : vector<1x16xf32> to vector<16xf32>
          %mul3A_128 = arith.constant 16 : i32
          %mul3A_129 = arith.muli %scan3A_121, %mul3A_128 : i32
          %get3A_130 = arith.index_cast %scan3A_47 : i32 to index
          %get3A_131 = arith.index_cast %mul3A_129 : i32 to index
          %get3A_132 = tpu.vector_load %arg11[%get3A_130, %get3A_131] {strides = array<i32>} : memref<32x1024xf32, #tpu.memory_space<vmem>>, vector<1x16xf32>,
          %get3A_133 = vector.shape_cast %get3A_132 : vector<1x16xf32> to vector<16xf32>
          %mul3A_134 = arith.mulf %get3A_127, %broadcast_in_dim3A : vector<16xf32>
          %mul3A_135 = arith.mulf %get3A_133, %broadcast_in_dim3A_62 : vector<16xf32>
          %add3A_136 = arith.addf %mul3A_134, %mul3A_135 : vector<16xf32>
          %mul3A_137 = arith.constant 16 : i32
          %mul3A_138 = arith.muli %scan3A_121, %mul3A_137 : i32
          %swap3A_139 = arith.index_cast %scan3A_47 : i32 to index
          %swap3A_140 = arith.index_cast %mul3A_138 : i32 to index
          %swap3A_141 = tpu.vector_load %arg12[%swap3A_139, %swap3A_140] {strides = array<i32>} : memref<32x1024xf32, #tpu.memory_space<vmem>>, vector<1x16xf32>,
          %swap3A_142 = vector.shape_cast %swap3A_141 : vector<1x16xf32> to vector<16xf32>
          %swap3A_143 = vector.shape_cast %add3A_136 : vector<16xf32> to vector<1x16xf32>
          tpu.vector_store %arg12[%swap3A_139, %swap3A_140], %swap3A_143 {strides = array<i32>} : memref<32x1024xf32, #tpu.memory_space<vmem>>, vector<1x16xf32>,
          %scan3A_144 = arith.constant 0 : i32
          %scan3A_145 = arith.constant 3 : i32
          %scan3A_146 = arith.addi %scan3A_71, %scan3A_145 : i32
          %mul3A_147 = arith.constant 16 : i32
          %mul3A_148 = arith.muli %scan3A_146, %mul3A_147 : i32
          %get3A_149 = arith.index_cast %scan3A_47 : i32 to index
          %get3A_150 = arith.index_cast %mul3A_148 : i32 to index
          %get3A_151 = tpu.vector_load %arg10[%get3A_149, %get3A_150] {strides = array<i32>} : memref<32x1024xf32, #tpu.memory_space<vmem>>, vector<1x16xf32>,
          %get3A_152 = vector.shape_cast %get3A_151 : vector<1x16xf32> to vector<16xf32>
          %mul3A_153 = arith.constant 16 : i32
          %mul3A_154 = arith.muli %scan3A_146, %mul3A_153 : i32
          %get3A_155 = arith.index_cast %scan3A_47 : i32 to index
          %get3A_156 = arith.index_cast %mul3A_154 : i32 to index
          %get3A_157 = tpu.vector_load %arg11[%get3A_155, %get3A_156] {strides = array<i32>} : memref<32x1024xf32, #tpu.memory_space<vmem>>, vector<1x16xf32>,
          %get3A_158 = vector.shape_cast %get3A_157 : vector<1x16xf32> to vector<16xf32>
          %mul3A_159 = arith.mulf %get3A_152, %broadcast_in_dim3A : vector<16xf32>
          %mul3A_160 = arith.mulf %get3A_158, %broadcast_in_dim3A_62 : vector<16xf32>
          %add3A_161 = arith.addf %mul3A_159, %mul3A_160 : vector<16xf32>
          %mul3A_162 = arith.constant 16 : i32
          %mul3A_163 = arith.muli %scan3A_146, %mul3A_162 : i32
          %swap3A_164 = arith.index_cast %scan3A_47 : i32 to index
          %swap3A_165 = arith.index_cast %mul3A_163 : i32 to index
          %swap3A_166 = tpu.vector_load %arg12[%swap3A_164, %swap3A_165] {strides = array<i32>} : memref<32x1024xf32, #tpu.memory_space<vmem>>, vector<1x16xf32>,
          %swap3A_167 = vector.shape_cast %swap3A_166 : vector<1x16xf32> to vector<16xf32>
          %swap3A_168 = vector.shape_cast %add3A_161 : vector<16xf32> to vector<1x16xf32>
          tpu.vector_store %arg12[%swap3A_164, %swap3A_165], %swap3A_168 {strides = array<i32>} : memref<32x1024xf32, #tpu.memory_space<vmem>>, vector<1x16xf32>,
          %scan3A_169 = arith.constant 0 : i32
          scf.yield %scan3A_169 : i32
        }
        %scan3A_69 = arith.constant 64 : i32
        %scan3A_70 = arith.constant 0 : i32
        scf.yield %scan3A_70 : i32
      }
      %scan3A_42 = arith.constant 32 : i32
      %mul3A_43 = arith.constant 32 : i32
      %mul3A_44 = arith.muli %scan3A_16, %mul3A_43 : i32
      %add3A_45 = arith.addi %mul3A_2, %mul3A_44 : i32
      "tpu.region"() ({
        %run_scoped3A = tpu.sem_alloc : memref<!tpu.dma_semaphore, #tpu.memory_space<semaphore_mem>>
        %dma_start3A_47 = arith.constant 0 : i32
        %dma_start3A_48 = tpu.memref_slice %arg4[%add3A_45, %dma_start3A_47] : memref<65536x1024xf32, #tpu.memory_space<hbm>> -> memref<32x1024xf32, #tpu.memory_space<hbm>>
        %dma_start3A_49 = arith.constant 0 : i32
        %dma_start3A_50 = tpu.memref_slice %arg4[%add3A_45, %dma_start3A_49] : memref<65536x1024xf32, #tpu.memory_space<hbm>> -> memref<32x1024xf32, #tpu.memory_space<hbm>>
        tpu.enqueue_dma source(%arg12 : memref<32x1024xf32, #tpu.memory_space<vmem>>) target(%dma_start3A_50 : memref<32x1024xf32, #tpu.memory_space<hbm>>) target_semaphore(%run_scoped3A : memref<!tpu.dma_semaphore, #tpu.memory_space<semaphore_mem>>)
        %dma_wait3A_51 = arith.constant 0 : i32
        %dma_wait3A_52 = tpu.memref_slice %arg4[%add3A_45, %dma_wait3A_51] : memref<65536x1024xf32, #tpu.memory_space<hbm>> -> memref<32x1024xf32, #tpu.memory_space<hbm>>
        %dma_wait3A_53 = arith.constant 0 : i32
        %dma_wait3A_54 = tpu.memref_slice %arg4[%add3A_45, %dma_wait3A_53] : memref<65536x1024xf32, #tpu.memory_space<hbm>> -> memref<32x1024xf32, #tpu.memory_space<hbm>>
        tpu.wait_dma2 semaphore(%run_scoped3A : memref<!tpu.dma_semaphore, #tpu.memory_space<semaphore_mem>>) src(%arg12 : memref<32x1024xf32, #tpu.memory_space<vmem>>) dst(%dma_wait3A_54 : memref<32x1024xf32, #tpu.memory_space<hbm>>)
        tpu.yield
      }) : () -> ()
      %scan3A_46 = arith.constant 0 : i32
      scf.yield %scan3A_46 : i32
    }
    %scan3A_15 = arith.constant 64 : i32
    return
  }
}

</mosaic_0001>

<sc_bundles>
// kernel: kernel.3.cloned.1.call-start
scs
__scs_entry_jumppad:
0x0: {  	(pc) =	sbr.rel $0x88, $3  }
0x1: {  	(tag) =	ssettag $0x0;
	lr =	simm.s32 $0x1  }
0x2: {  	[smem:$0x3F9F] =	sst lr;
	_ =	strace $0xD0000000  }
0x3: {  	_ = 	snop  }
0x4: {  	_ = 	snop  }
0x5: {  	_ = 	snop  }
0x6: {  	_ = 	snop  }
0x7: {  	_ = 	snop  }
__scs_overlays_trampoline_lowered:
0x8: {  	[smem:$0x3FAE] =	sst s0  }
0x9: {  	[smem:$0x3FAF] =	sst s1  }
0xa: {  	[smem:$0x3FB0] =	sst s2  }
0xb: {  	[smem:$0x3FB1] =	sst s3  }
0xc: {  	[smem:$0x3FB2] =	sst s4  }
0xd: {  	[smem:$0x3FB3] =	sst s5  }
0xe: {  	[smem:$0x3FB4] =	sst s6  }
0xf: {  	[smem:$0x3FB5] =	sst s7  }
0x10: {  	[smem:$0x3FB6] =	sst s8  }
0x11: {  	[smem:$0x3FB7] =	sst s9;
	s0 =	simm.s32 @!p0 $0x0  }
0x12: {  	s1 =	sld [smem:$0x3F9D];
	s0 =	simm.s32 @p0 $0x1  }
0x13: {  	[smem:$0x3FB8] =	sst s0;
	s0 =	simm.s32 @!p1 $0x0  }
0x14: {  	s2 =	sld [smem:$0x3F9C];
	s0 =	simm.s32 @p1 $0x1  }
0x15: {  	[smem:$0x3FB9] =	sst s0;
	s0 =	simm.s32 @!p2 $0x0  }
0x16: {  	s3 =	sld [smem:$0x3FDB];
	s0 =	simm.s32 @p2 $0x1  }
0x17: {  	s4 =	simm.s32 $0x1BF5;
	[smem:$0x3FBB] =	sst s0  }
0x18: {  	s0 =	sld [smem:$0x3F9E];
	_ =	swait.ge [sflag:s4], $0x0  }
0x19: {  	s7 =	sld [smem:$0x3F9F]  }
0x1a: {  	s8 =	sadd.s32 $0xFFFFE003, lr  }
0x1b: {  	s9 =	sadd.s32 $0xFFFFFEF7, lr;
	s5 =	simm.s32 $0xFFFFFFFF;
	p2 =	slt.u32 s8, $0xFFFFF086  }
0x1c: {  	p1 =	slt.u32 s9, $0xF7A;
	s5 =	simm.s32 @!p2 $0x0  }
0x1d: {  	s5 =	simm.s32 @p1 $0x1;
	p0 =	seq.s32 s7, s2  }
0x1e: {  	s7 =	smul.u32 @!p0 $0xF7A, s2;
	p2 =	seq.s32 @!p0 s5, $0x0  }
0x1f: {  	s9 =	smul.u32 $0xF7A, s1;
	s8 =	simm.s32 @!p0 $0x1BF5;
	p2 =	por !p2, p0  }
0x20: {  	[sflag:s8] =	ssyncset.s32 @!p0 $0xFFFFF086;
	s6 =	sadd.s32 @!p0 s3, s7;
	s7 =	simm.s32 @!p0 $0x108  }
0x21: {  	s3 =	sadd.s32 s3, s9;
	s6 =	sadd.s32 @!p0 $0x88, s6;
	s7 =	simm.s32 @p2 $0x1082  }
0x22: {  	[simem:s7], [sflag:s8] =	dma.local @!p0 [hbm:s6], $0xF7A  }
0x23: {  	s9 =	sor.u32 $0xD0000000, s2;
	s6 =	simm.s32 $0x108;
	_ =	swait.ge @!p0 [sflag:s8], $0x0  }
0x24: {  	s3 =	sadd.s32 $0x88, s3;
	s6 =	simm.s32 @!p1 $0x1082;
	[sflag:s4] =	ssyncset.s32 $0xFFFFF086  }
0x25: {  	[simem:s6], [sflag:s4] =	dma.local [hbm:s3], $0xF7A  }
0x26: {  	[smem:$0x3F9F] =	sst s1;
	(tag) =	ssettag s2;
	_ =	strace s9  }
0x27: {  	s1 =	sld [smem:$0x3FAF]  }
0x28: {  	s2 =	sld [smem:$0x3FB0]  }
0x29: {  	s4 =	sld [smem:$0x3FB2]  }
0x2a: {  	p0 =	seq.s32 s5, $0x0;
	s5 =	sld [smem:$0x3FB3]  }
0x2b: {  	s6 =	sld [smem:$0x3FB4]  }
0x2c: {  	s7 =	sld [smem:$0x3FB5]  }
0x2d: {  	s3 =	simm.s32 $0x108;
	s8 =	sld [smem:$0x3FB6]  }
0x2e: {  	s3 =	simm.s32 @!p0 $0x1082;
	s9 =	sld [smem:$0x3FB7]  }
0x2f: {  	lr =	sadd.s32 s0, s3;
	s0 =	sld [smem:$0x3FAE]  }
0x30: {  	s3 =	sld [smem:$0x3FB1]  }
0x31: {  	[smem:$0x3FBA] =	sst s10  }
0x32: {  	s10 =	sld [smem:$0x3FB8];
	_ =	sdelay $0x3  }
0x33: {  	p0 =	seq.s32 s10, $0x1;
	s10 =	sld [smem:$0x3FBA];
	_ =	sdelay $0x3  }
0x34: {  	[smem:$0x3FBA] =	sst s10  }
0x35: {  	s10 =	sld [smem:$0x3FB9];
	_ =	sdelay $0x3  }
0x36: {  	p1 =	seq.s32 s10, $0x1;
	s10 =	sld [smem:$0x3FBA];
	_ =	sdelay $0x3  }
0x37: {  	[smem:$0x3FBA] =	sst s10  }
0x38: {  	s10 =	sld [smem:$0x3FBB]  }
0x39: {  	_ = 	snop;
	(pc) =	sbr.ind lr, $3  }
0x3a: {  	_ = 	snop  }
0x3b: {  	_ = 	snop  }
0x3c: {  	p2 =	seq.s32 s10, $0x1;
	s10 =	sld [smem:$0x3FBA]  }
0x3d: {  	_ =	shalt  }
0x3e: {  	_ =	shalt  }
0x3f: {  	_ =	shalt  }
0x40: {  	_ =	shalt  }
0x41: {  	_ =	shalt  }
0x42: {  	_ =	shalt  }
0x43: {  	_ =	shalt  }
0x44: {  	_ =	shalt  }
0x45: {  	_ =	shalt  }
0x46: {  	_ =	shalt  }
0x47: {  	_ =	shalt  }
0x48: {  	_ =	shalt  }
0x49: {  	_ =	shalt  }
0x4a: {  	_ =	shalt  }
0x4b: {  	_ =	shalt  }
0x4c: {  	_ =	shalt  }
0x4d: {  	_ =	shalt  }
0x4e: {  	_ =	shalt  }
0x4f: {  	_ =	shalt  }
0x50: {  	_ =	shalt  }
0x51: {  	_ =	shalt  }
0x52: {  	_ =	shalt  }
0x53: {  	_ =	shalt  }
0x54: {  	_ =	shalt  }
0x55: {  	_ =	shalt  }
0x56: {  	_ =	shalt  }
0x57: {  	_ =	shalt  }
0x58: {  	_ =	shalt  }
0x59: {  	_ =	shalt  }
0x5a: {  	_ =	shalt  }
0x5b: {  	_ =	shalt  }
0x5c: {  	_ =	shalt  }
0x5d: {  	_ =	shalt  }
0x5e: {  	_ =	shalt  }
0x5f: {  	_ =	shalt  }
0x60: {  	_ =	shalt  }
0x61: {  	_ =	shalt  }
0x62: {  	_ =	shalt  }
0x63: {  	_ =	shalt  }
0x64: {  	_ =	shalt  }
0x65: {  	_ =	shalt  }
0x66: {  	_ =	shalt  }
0x67: {  	_ =	shalt  }
0x68: {  	_ =	shalt  }
0x69: {  	_ =	shalt  }
0x6a: {  	_ =	shalt  }
0x6b: {  	_ =	shalt  }
0x6c: {  	_ =	shalt  }
0x6d: {  	_ =	shalt  }
0x6e: {  	_ =	shalt  }
0x6f: {  	_ =	shalt  }
0x70: {  	_ =	shalt  }
0x71: {  	_ =	shalt  }
0x72: {  	_ =	shalt  }
0x73: {  	_ =	shalt  }
0x74: {  	_ =	shalt  }
0x75: {  	_ =	shalt  }
0x76: {  	_ =	shalt  }
0x77: {  	_ =	shalt  }
0x78: {  	_ =	shalt  }
0x79: {  	_ =	shalt  }
0x7a: {  	_ =	shalt  }
0x7b: {  	_ =	shalt  }
0x7c: {  	_ =	shalt  }
0x7d: {  	_ =	shalt  }
0x7e: {  	_ =	shalt  }
0x7f: {  	_ =	shalt  }
0x80: {  	_ =	shalt  }
0x81: {  	_ =	shalt  }
0x82: {  	_ =	shalt  }
0x83: {  	_ =	shalt  }
0x84: {  	_ =	shalt  }
0x85: {  	_ =	shalt  }
0x86: {  	_ =	shalt  }
0x87: {  	_ =	shalt  }
.Lfunc_end0:
.L_simem_size_0:
called_computation_lowered:
.L_overlay_start_0:
0x88: {  	s2 =	sld [smem:$0x3FD9]  }
0x89: {  	s3 =	sld [smem:$0x3FFE];
	_ =	sdelay $0x1  }
0x8a: {  	s1 =	srdreg.scid  }
0x8b: {  	s0 =	sand.u32 $0x1, s1  }
0x8c: {  	s17 =	sshll.u32 s0, $0xA;
	s2 =	sadd.s32 s3, s2  }
0x8d: {  	s2 =	sadd.s32 s2, s17  }
0x8e: {  	[smem:$0x3FC6] =	sst s2  }
0x8f: {  	_ = 	snop  }
0x90: {  	s2 =	sld [smem:$0x3FC9]  }
0x91: {  	s18 =	sld [smem:$0x3FD0];
	(tm) =	ssettm $0x1  }
0x92: {  	s4 =	sld [smem:$0x3FFB];
	_ =	sdelay $0x3  }
0x93: {  	_ =	strace s4  }
0x94: {  	s4 =	sld [smem:$0x3FFC];
	_ =	sdelay $0x3  }
0x95: {  	_ =	strace s4  }
0x96: {  	s4 =	sld [smem:$0x3FFD];
	_ =	sdelay $0x3  }
0x97: {  	_ =	strace s4  }
0x98: {  	_ =	strace $0x8FFFFFFF  }
0x99: {  	s19 =	sld [smem:$0x3FDB];
	_ =	sdelay $0x1  }
0x9a: {  	s5 =	simm.s32 $_scs_section_size  }
0x9b: {  	s6 =	simm.s32 $_size__tile_overlayer_lowered;
	s7 =	simm.s32 $_tile_overlayer_lowered  }
0x9c: {  	s22 =	simm.s32 $0x1BFF;
	s21 =	sshll.u32 s7, $0x1;
	s4 =	sadd.s32 s5, s19  }
0x9d: {  	s8 =	simm.s32 $0x0;
	s20 =	sshll.u32 s6, $0x1;
	s6 =	sadd.s32 s21, s4  }
0x9e: {  	[timem:s8], [sflag:s22] =	dma.local [hbm:s6], s20  }
0x9f: {  	_ =	swait.ge [sflag:s22], s20  }
0xa0: {  	s5 =	ssub.s32 $0x0, s20;
	[sflag:s22] =	ssyncset.done $0x0  }
0xa1: {  	[sflag:s22] =	ssyncadd.s32 s5;
	_ =	sdelay $0x1  }
0xa2: {  	s23 =	simm.s32 $0x1B8B  }
0xa3: {  	_ =	swait.ge [sflag:s23], $0x1  }
0xa4: {  	[sflag:s23] =	ssyncset.done $0x0  }
0xa5: {  	s25 =	simm.s32 $0x1B8E;
	s24 =	sld [smem:$0x3FFE];
	[sflag:s23] =	ssyncadd.s32 $0xFFFFFFFF  }
0xa6: {  	s26 =	simm.s32 $execute0_lowered;
	[smem:$0x3FD2] =	sst s25  }
0xa7: {  	s6 =	sshll.u32 s26, $0x1;
	_ =	strace $0x80000046;
	[dreg:$0x1] =	wrdreg $0xFFFFFFFF  }
0xa8: {  	s28 =	simm.s32 $_size_execute0_lowered;
	s4 =	sadd.s32 s4, s6;
	[dreg:$0x0] =	wrdreg $0x0  }
0xa9: {  	s6 =	sshll.u32 s28, $0x1;
	[dreg:$0x2] =	wrdreg s4  }
0xaa: {  	[dreg:$0x3] =	wrdreg s6  }
0xab: {  	[dreg:$0x4] =	wrdreg $0xC0  }
0xac: {  	_ =	task [dreg:s8], $0x5FFFF  }
0xad: {  	[dreg:$0x1] =	wrdreg $0xFFFFFFFF  }
0xae: {  	[dreg:$0x0] =	wrdreg $0x60  }
0xaf: {  	[dreg:$0x2] =	wrdreg s2  }
0xb0: {  	[dreg:$0x3] =	wrdreg s18  }
0xb1: {  	[dreg:$0x4] =	wrdreg s24  }
0xb2: {  	[dreg:$0x5] =	wrdreg $0x9  }
0xb3: {  	_ =	task.clear_ibuf [dreg:s8], $0x6FFFF;
	_ =	strace $0x90000046  }
0xb4: {  	s29 =	simm.s32 $0x9;
	_ =	strace $0x80000048  }
0xb5: {  	_ =	swait.ge [sflag:s29], $0x1  }
0xb6: {  	[sflag:s29] =	ssyncadd.s32 $0xFFFFFFFF  }
0xb7: {  	_ =	strace $0x90000048  }
0xb8: {  	_ =	sfence  }
0xb9: {  	s30 =	sld [smem:$0x0];
	_ =	sdelay $0x2  }
0xba: {  	s31 =	sshll.u32 s1, $0xD;
	s1 =	sshrl.u32 s1, $0x2  }
0xbb: {  	s3 =	sand.u32 $0x4000, s31;
	s1 =	sadd.s32 s1, s30  }
0xbc: {  	s0 =	sor.u32 s3, s0;
	s1 =	sshll.u32 s1, $0x11  }
0xbd: {  	s0 =	sor.u32 s1, s0  }
0xbe: {  	s0 =	sadd.s32 $0x8F2B, s0  }
0xbf: {  	[sflag:s0] =	ssyncadd.remote.s32 $0x1  }
0xc0: {  	_ =	sfence.sel $0xFFFF  }
0xc1: {  	[dreg:$0x0] =	wrdreg $0xFFFFFFFF;
	(pc) =	sbr.abs _section_cstart, $3  }
0xc2: {  	[dreg:$0x1] =	wrdreg $0xFFFFFFFF  }
0xc3: {  	_ =	task.clear_ibuf [dreg:s8], $0x2FFFF;
	_ =	strace $0x9FFFFFFF  }
0xc4: {  	(tm) =	ssettm $0x7FFFFFFF  }
0xc5: {  	_ =	shalt  }
tec
execute0_lowered:
.L_overlay_start_1:
0x0: {  	(tag) =	ssettag $0x1  }
0x1: {  	s0 =	rddreg [dreg:$0x0]  }
0x2: {  	s1 =	rddreg [dreg:$0x1]  }
0x3: {  	s2 =	rddreg [dreg:$0x2];
	s3 =	srdreg.scid;
	s5 =	simm.s32 $0x0  }
0x4: {  	s4 =	stileid.u32;
	s11 =	simm.s32 $0x2;
	s10 =	simm.s32 $0xD900  }
0x5: {  	s12 =	simm.s32 $0xE900;
	s13 =	simm.s32 $0xF100;
	s14 =	simm.s32 $0xF900  }
0x6: {  	s15 =	simm.s32 $0x10100;
	s16 =	simm.s32 $0x10900;
	s17 =	simm.s32 $0x11100  }
0x7: {  	s18 =	simm.s32 $0x11900;
	s19 =	simm.s32 $0x12100;
	s20 =	simm.s32 $0x1  }
0x8: {  	s21 =	simm.s32 $0x12900;
	s3 =	sand.u32 $0x1, s3;
	[smem:$0x7FF] =	sst s5  }
0x9: {  	s4 =	sshll.u32 s4, $0xC;
	s5 =	sadd.s32 $0x400, s2;
	s29 =	sshll.u32 s3, $0xB  }
0xa: {  	s7 =	sadd.s32 $0x100, s1;
	s3 =	ssub.s32 $0x2, s3;
	s4 =	sor.u32 s29, s4  }
0xb: {  	s8 =	sadd.s32 $0x200, s1;
	s30 =	sshrl.u32 s3, $0x1;
	s6 =	sshrl.u32 s4, $0x3  }
0xc: {  	v2 =	vlaneseq.u32;
	s9 =	sadd.s32 $0x300, s1;
	s2 =	ssub.s32 s3, s30;
	s0 =	sadd.s32 s0, s6  }
0xd: {  	vm0 =	vmmov $0xffff;
	v1 =	vshrl.u32 v2, $0x3;
	_ =	strace $0x80000047;
	s31 =	smax.u32 s2, $0x1;
	[dreg:$0x4] =	wrdreg s0  }
0xe: {  	v0 =	vand.u32 $0x7, v2;
	v2 =	vor.u32 $0x8, v2;
	v1 =	vmul.u32 $0x8, v1;
	s3 =	simm.s32 $0xE100;
	s2 =	simm.s32 $0x0;
	[dreg:$0x5] =	wrdreg s31  }
.LBB2_1:
0xf: {  	[dreg:$0x6] =	wrdreg s2  }
0x10: {  	s0 =	simm.s32 $0x0;
	s31 =	rddreg [dreg:$0x4]  }
0x11: {  	[tilespmem:s0], [sflag:$0x2] =	stream.linear.gather [hbm4b:s31+s0], $0x800, $0x38;
	[tilespmem:$0x1A900] =	vst v63  }
0x12: {  	_ =	swait.ge [sflag:s11], $0x800  }
0x13: {  	[sflag:s11] =	ssyncset.done $0x0  }
0x14: {  	s25 =	simm.s32 $0x20;
	[sflag:s11] =	ssyncadd.s32 $0xFFFFF800  }
0x15: {  	v3 =	vld [tilespmem:s25+$0xFFFFFFE0];
	_ =	sdelay $0x4  }
0x16: {  	v3 =	vadd.f32 $1.000000000e+00, v3;
	_ =	sdelay $0x1  }
0x17: {  	v3 =	vmul.f32 $4.096000000e+03, v3;
	_ =	sdelay $0x1  }
0x18: {  	v4 =	vtrunc.f32 v3  }
0x19: {  	v4 =	vcvt.f32.s32 v4;
	_ =	sdelay $0x1  }
0x1a: {  	v4 =	vcvt.s32.f32 v4;
	_ =	sdelay $0x1  }
0x1b: {  	v5 =	vadd.f32 $1.000000000e+00, v4  }
0x1c: {  	vm1 =	vgt.f32 v3, v4  }
0x1d: {  	v4 =	vsel vm1, v5, v4  }
0x1e: {  	v5 =	vtrunc.f32 v4  }
0x1f: {  	v5 =	vcvt.f32.s32 v5;
	_ =	sdelay $0x1  }
0x20: {  	s26 =	simm.s32 $0x820;
	v6 =	vadd.f32 $-1.000000000e+00, v4;
	v7 =	vadd.s32 $0xFFFFFFFF, v5  }
0x21: {  	s24 =	simm.s32 $0x1020;
	v4 =	vsub.f32 v4, v3;
	v5 =	vand.u32 $0x1FFF, v5;
	[tilespmem:s26+$0xFFFFFFE0] =	vst v7  }
0x22: {  	s22 =	simm.s32 $0x1820;
	v3 =	vsub.f32 v3, v6;
	[tilespmem:s24+$0xFFFFFFE0] =	vst v5  }
0x23: {  	s23 =	simm.s32 $0x20A0;
	[tilespmem:s22+$0xFFFFFFE0] =	vst v4  }
0x24: {  	[tilespmem:s23+$0xFFFFFFE0] =	vst v3  }
0x25: {  	v3 =	vld [tilespmem:s25+$0xFFFFFFF0];
	_ =	sdelay $0x4  }
0x26: {  	v3 =	vadd.f32 $1.000000000e+00, v3;
	_ =	sdelay $0x1  }
0x27: {  	v3 =	vmul.f32 $4.096000000e+03, v3;
	_ =	sdelay $0x1  }
0x28: {  	v4 =	vtrunc.f32 v3  }
0x29: {  	v4 =	vcvt.f32.s32 v4;
	_ =	sdelay $0x1  }
0x2a: {  	v4 =	vcvt.s32.f32 v4;
	_ =	sdelay $0x1  }
0x2b: {  	v5 =	vadd.f32 $1.000000000e+00, v4  }
0x2c: {  	vm1 =	vgt.f32 v3, v4  }
0x2d: {  	v4 =	vsel vm1, v5, v4  }
0x2e: {  	v5 =	vtrunc.f32 v4  }
0x2f: {  	v5 =	vcvt.f32.s32 v5;
	_ =	sdelay $0x1  }
0x30: {  	v58 =	vadd.f32 $-1.000000000e+00, v4;
	v59 =	vadd.s32 $0xFFFFFFFF, v5  }
0x31: {  	v4 =	vsub.f32 v4, v3;
	v5 =	vand.u32 $0x1FFF, v5;
	[tilespmem:s26+$0xFFFFFFF0] =	vst v59  }
0x32: {  	v3 =	vsub.f32 v3, v58;
	[tilespmem:s24+$0xFFFFFFF0] =	vst v5  }
0x33: {  	[tilespmem:s22+$0xFFFFFFF0] =	vst v4  }
0x34: {  	[tilespmem:s23+$0xFFFFFFF0] =	vst v3  }
0x35: {  	v3 =	vld [tilespmem:s25+$0x0];
	_ =	sdelay $0x4  }
0x36: {  	v3 =	vadd.f32 $1.000000000e+00, v3;
	_ =	sdelay $0x1  }
0x37: {  	v3 =	vmul.f32 $4.096000000e+03, v3;
	_ =	sdelay $0x1  }
0x38: {  	v4 =	vtrunc.f32 v3  }
0x39: {  	v4 =	vcvt.f32.s32 v4;
	_ =	sdelay $0x1  }
0x3a: {  	v4 =	vcvt.s32.f32 v4;
	_ =	sdelay $0x1  }
0x3b: {  	v5 =	vadd.f32 $1.000000000e+00, v4  }
0x3c: {  	vm1 =	vgt.f32 v3, v4  }
0x3d: {  	v4 =	vsel vm1, v5, v4  }
0x3e: {  	v5 =	vtrunc.f32 v4  }
0x3f: {  	v5 =	vcvt.f32.s32 v5;
	_ =	sdelay $0x1  }
0x40: {  	v60 =	vadd.f32 $-1.000000000e+00, v4;
	v61 =	vadd.s32 $0xFFFFFFFF, v5  }
0x41: {  	v4 =	vsub.f32 v4, v3;
	v5 =	vand.u32 $0x1FFF, v5;
	[tilespmem:s26+$0x0] =	vst v61  }
0x42: {  	v3 =	vsub.f32 v3, v60;
	[tilespmem:s24+$0x0] =	vst v5  }
0x43: {  	[tilespmem:s22+$0x0] =	vst v4  }
0x44: {  	[tilespmem:s23+$0x0] =	vst v3  }
0x45: {  	v3 =	vld [tilespmem:s25+$0x10];
	_ =	sdelay $0x4  }
0x46: {  	v3 =	vadd.f32 $1.000000000e+00, v3;
	_ =	sdelay $0x1  }
0x47: {  	v3 =	vmul.f32 $4.096000000e+03, v3;
	_ =	sdelay $0x1  }
0x48: {  	v4 =	vtrunc.f32 v3  }
0x49: {  	v4 =	vcvt.f32.s32 v4;
	_ =	sdelay $0x1  }
0x4a: {  	v4 =	vcvt.s32.f32 v4;
	_ =	sdelay $0x1  }
0x4b: {  	v5 =	vadd.f32 $1.000000000e+00, v4  }
0x4c: {  	vm1 =	vgt.f32 v3, v4  }
0x4d: {  	v4 =	vsel vm1, v5, v4  }
0x4e: {  	v5 =	vtrunc.f32 v4  }
0x4f: {  	v5 =	vcvt.f32.s32 v5;
	_ =	sdelay $0x1  }
0x50: {  	v63 =	vsub.f32 v4, v3;
	v4 =	vadd.f32 $-1.000000000e+00, v4;
	v62 =	vadd.s32 $0xFFFFFFFF, v5  }
0x51: {  	v5 =	vand.u32 $0x1FFF, v5;
	[tilespmem:s26+$0x10] =	vst v62  }
0x52: {  	s28 =	simm.s32 $0x860;
	v3 =	vsub.f32 v3, v4;
	[tilespmem:s24+$0x10] =	vst v5  }
0x53: {  	s29 =	simm.s32 $0x60;
	s25 =	simm.s32 $0x0;
	s26 =	simm.s32 $0x1060;
	[tilespmem:s22+$0x10] =	vst v63  }
.LBB2_2:
0x54: {  	s25 =	sadd.s32 $0x4, s25;
	[tilespmem:s23+$0x10] =	vst v3;
	s23 =	sadd.s32 $0x40, s23;
	s22 =	sadd.s32 $0x40, s22  }
0x55: {  	v3 =	vld [tilespmem:s29+$0xFFFFFFE0];
	p0 =	slt.u32 s25, $0x7C;
	_ =	sdelay $0x4  }
0x56: {  	v3 =	vadd.f32 $1.000000000e+00, v3;
	_ =	sdelay $0x1  }
0x57: {  	v3 =	vmul.f32 $4.096000000e+03, v3;
	_ =	sdelay $0x1  }
0x58: {  	v4 =	vtrunc.f32 v3  }
0x59: {  	v4 =	vcvt.f32.s32 v4;
	_ =	sdelay $0x1  }
0x5a: {  	v4 =	vcvt.s32.f32 v4;
	_ =	sdelay $0x1  }
0x5b: {  	vm1 =	vgt.f32 v3, v4;
	v5 =	vadd.f32 $1.000000000e+00, v4;
	_ =	sdelay $0x1  }
0x5c: {  	v4 =	vsel vm1, v5, v4  }
0x5d: {  	v5 =	vtrunc.f32 v4;
	v6 =	vsub.f32 v4, v3;
	v4 =	vadd.f32 $-1.000000000e+00, v4  }
0x5e: {  	v5 =	vcvt.f32.s32 v5  }
0x5f: {  	v3 =	vsub.f32 v3, v4  }
0x60: {  	v4 =	vadd.s32 $0xFFFFFFFF, v5  }
0x61: {  	[tilespmem:s28+$0xFFFFFFE0] =	vst v4;
	v4 =	vand.u32 $0x1FFF, v5  }
0x62: {  	[tilespmem:s26+$0xFFFFFFE0] =	vst v4  }
0x63: {  	[tilespmem:s22+$0xFFFFFFE0] =	vst v6  }
0x64: {  	[tilespmem:s23+$0xFFFFFFE0] =	vst v3  }
0x65: {  	v3 =	vld [tilespmem:s29+$0xFFFFFFF0];
	_ =	sdelay $0x4  }
0x66: {  	v3 =	vadd.f32 $1.000000000e+00, v3;
	_ =	sdelay $0x1  }
0x67: {  	v3 =	vmul.f32 $4.096000000e+03, v3;
	_ =	sdelay $0x1  }
0x68: {  	v4 =	vtrunc.f32 v3  }
0x69: {  	v4 =	vcvt.f32.s32 v4;
	_ =	sdelay $0x1  }
0x6a: {  	v4 =	vcvt.s32.f32 v4;
	_ =	sdelay $0x1  }
0x6b: {  	vm1 =	vgt.f32 v3, v4;
	v5 =	vadd.f32 $1.000000000e+00, v4;
	_ =	sdelay $0x1  }
0x6c: {  	v4 =	vsel vm1, v5, v4  }
0x6d: {  	v5 =	vtrunc.f32 v4;
	v6 =	vsub.f32 v4, v3;
	v4 =	vadd.f32 $-1.000000000e+00, v4  }
0x6e: {  	v5 =	vcvt.f32.s32 v5  }
0x6f: {  	v3 =	vsub.f32 v3, v4  }
0x70: {  	v4 =	vadd.s32 $0xFFFFFFFF, v5  }
0x71: {  	[tilespmem:s28+$0xFFFFFFF0] =	vst v4;
	v4 =	vand.u32 $0x1FFF, v5  }
0x72: {  	[tilespmem:s26+$0xFFFFFFF0] =	vst v4  }
0x73: {  	[tilespmem:s22+$0xFFFFFFF0] =	vst v6  }
0x74: {  	[tilespmem:s23+$0xFFFFFFF0] =	vst v3  }
0x75: {  	v3 =	vld [tilespmem:s29+$0x0];
	_ =	sdelay $0x4  }
0x76: {  	v3 =	vadd.f32 $1.000000000e+00, v3;
	_ =	sdelay $0x1  }
0x77: {  	v3 =	vmul.f32 $4.096000000e+03, v3;
	_ =	sdelay $0x1  }
0x78: {  	v4 =	vtrunc.f32 v3  }
0x79: {  	v4 =	vcvt.f32.s32 v4;
	_ =	sdelay $0x1  }
0x7a: {  	v4 =	vcvt.s32.f32 v4;
	_ =	sdelay $0x1  }
0x7b: {  	vm1 =	vgt.f32 v3, v4;
	v5 =	vadd.f32 $1.000000000e+00, v4;
	_ =	sdelay $0x1  }
0x7c: {  	v4 =	vsel vm1, v5, v4  }
0x7d: {  	v5 =	vtrunc.f32 v4;
	v6 =	vsub.f32 v4, v3;
	v4 =	vadd.f32 $-1.000000000e+00, v4  }
0x7e: {  	v5 =	vcvt.f32.s32 v5  }
0x7f: {  	v3 =	vsub.f32 v3, v4  }
0x80: {  	v4 =	vadd.s32 $0xFFFFFFFF, v5  }
0x81: {  	[tilespmem:s28+$0x0] =	vst v4;
	v4 =	vand.u32 $0x1FFF, v5  }
0x82: {  	[tilespmem:s26+$0x0] =	vst v4  }
0x83: {  	[tilespmem:s22+$0x0] =	vst v6  }
0x84: {  	[tilespmem:s23+$0x0] =	vst v3  }
0x85: {  	v3 =	vld [tilespmem:s29+$0x10];
	_ =	sdelay $0x4  }
0x86: {  	v3 =	vadd.f32 $1.000000000e+00, v3;
	_ =	sdelay $0x1  }
0x87: {  	v3 =	vmul.f32 $4.096000000e+03, v3;
	_ =	sdelay $0x1  }
0x88: {  	v4 =	vtrunc.f32 v3  }
0x89: {  	v4 =	vcvt.f32.s32 v4;
	_ =	sdelay $0x1  }
0x8a: {  	v4 =	vcvt.s32.f32 v4;
	_ =	sdelay $0x1  }
0x8b: {  	vm1 =	vgt.f32 v3, v4;
	v5 =	vadd.f32 $1.000000000e+00, v4;
	_ =	sdelay $0x1  }
0x8c: {  	v4 =	vsel vm1, v5, v4  }
0x8d: {  	v5 =	vtrunc.f32 v4;
	v6 =	vsub.f32 v4, v3;
	v4 =	vadd.f32 $-1.000000000e+00, v4  }
0x8e: {  	v5 =	vcvt.f32.s32 v5  }
.Ltmp0:
0x8f: {  	v3 =	vsub.f32 v3, v4;
	(pc) =	sbr.rel @p0 .LBB2_2-.Ltmp0, $4  }
0x90: {  	v4 =	vadd.s32 $0xFFFFFFFF, v5  }
0x91: {  	[tilespmem:s28+$0x10] =	vst v4;
	v4 =	vand.u32 $0x1FFF, v5  }
0x92: {  	s24 =	simm.s32 $0x0;
	[tilespmem:s26+$0x10] =	vst v4  }
0x93: {  	s29 =	sadd.s32 $0x40, s29;
	s28 =	sadd.s32 $0x40, s28;
	s26 =	sadd.s32 $0x40, s26;
	[tilespmem:s22+$0x10] =	vst v6  }
0x94: {  	[tilespmem:s23+$0x10] =	vst v3;
	s22 =	simm.s32 $0x0  }
.LBB2_4:
0x95: {  	s23 =	sshll.u32 s22, $0x5  }
0x96: {  	v3 =	vld [tilespmem:s23+$0x800];
	_ =	sdelay $0x4  }
0x97: {  	v4 =	vshll.u32 v3, $0x3  }
0x98: {  	v3 =	vand.u32 $0x7, v3;
	v4 =	vand.u32 $0xFFFFFFC0, v4  }
0x99: {  	v3 =	vor.u32 v3, v4  }
0x9a: {  	v4 =	vperm.xlane v3, v0;
	_ =	sdelay $0x1  }
0x9b: {  	v4 =	vadd.s32 v1, v4;
	_ =	sdelay $0x3  }
0x9c: {  	s0 =	simm.s32 $0x2900  }
0x9d: {  	[tilespmem:s0], [sflag:$0x1] =	stream.indirect_vreg.gather [hbm4b:s1+s24], $0x80, v4, vm0, $0xb8;
	[tilespmem:$0x1A900] =	vst v63  }
0x9e: {  	s26 =	simm.s32 $0x3100;
	v3 =	vperm.xlane v3, v2  }
0x9f: {  	[tilespmem:s26], [sflag:$0x1] =	stream.indirect_vreg.gather [hbm4b:s7+s24], $0x80, v4, vm0, $0xb8;
	[tilespmem:$0x1A900] =	vst v63  }
0xa0: {  	s28 =	simm.s32 $0x3900;
	v3 =	vadd.s32 v1, v3  }
0xa1: {  	[tilespmem:s28], [sflag:$0x1] =	stream.indirect_vreg.gather [hbm4b:s8+s24], $0x80, v4, vm0, $0xb8;
	[tilespmem:$0x1A900] =	vst v63  }
0xa2: {  	s29 =	simm.s32 $0x4100  }
0xa3: {  	[tilespmem:s29], [sflag:$0x1] =	stream.indirect_vreg.gather [hbm4b:s9+s24], $0x80, v4, vm0, $0xb8;
	[tilespmem:$0x1A900] =	vst v63  }
0xa4: {  	s30 =	simm.s32 $0x4900  }
0xa5: {  	[tilespmem:s30], [sflag:$0x1] =	stream.indirect_vreg.gather [hbm4b:s1+s24], $0x80, v3, vm0, $0xb8;
	[tilespmem:$0x1A900] =	vst v63  }
0xa6: {  	s31 =	simm.s32 $0x5100  }
0xa7: {  	[tilespmem:s31], [sflag:$0x1] =	stream.indirect_vreg.gather [hbm4b:s7+s24], $0x80, v3, vm0, $0xb8;
	[tilespmem:$0x1A900] =	vst v63  }
0xa8: {  	s2 =	simm.s32 $0x5900  }
0xa9: {  	[tilespmem:s2], [sflag:$0x1] =	stream.indirect_vreg.gather [hbm4b:s8+s24], $0x80, v3, vm0, $0xb8;
	[tilespmem:$0x1A900] =	vst v63  }
0xaa: {  	s6 =	simm.s32 $0x6100  }
0xab: {  	[tilespmem:s6], [sflag:$0x1] =	stream.indirect_vreg.gather [hbm4b:s9+s24], $0x80, v3, vm0, $0xb8;
	[tilespmem:$0x1A900] =	vst v63  }
0xac: {  	v3 =	vld [tilespmem:s23+$0x810];
	_ =	sdelay $0x4  }
0xad: {  	v61 =	vshll.u32 v3, $0x3  }
0xae: {  	v3 =	vand.u32 $0x7, v3;
	v4 =	vand.u32 $0xFFFFFFC0, v61  }
0xaf: {  	v3 =	vor.u32 v3, v4  }
0xb0: {  	v4 =	vperm.xlane v3, v0;
	_ =	sdelay $0x1  }
0xb1: {  	v4 =	vadd.s32 v1, v4;
	_ =	sdelay $0x3  }
0xb2: {  	s25 =	simm.s32 $0x6900  }
0xb3: {  	[tilespmem:s25], [sflag:$0x1] =	stream.indirect_vreg.gather [hbm4b:s1+s24], $0x80, v4, vm0, $0xb8;
	[tilespmem:$0x1A900] =	vst v63  }
0xb4: {  	s26 =	simm.s32 $0x7100;
	v3 =	vperm.xlane v3, v2  }
0xb5: {  	[tilespmem:s26], [sflag:$0x1] =	stream.indirect_vreg.gather [hbm4b:s7+s24], $0x80, v4, vm0, $0xb8;
	[tilespmem:$0x1A900] =	vst v63  }
0xb6: {  	s28 =	simm.s32 $0x7900;
	v3 =	vadd.s32 v1, v3  }
0xb7: {  	[tilespmem:s28], [sflag:$0x1] =	stream.indirect_vreg.gather [hbm4b:s8+s24], $0x80, v4, vm0, $0xb8;
	[tilespmem:$0x1A900] =	vst v63  }
0xb8: {  	s29 =	simm.s32 $0x8100  }
0xb9: {  	[tilespmem:s29], [sflag:$0x1] =	stream.indirect_vreg.gather [hbm4b:s9+s24], $0x80, v4, vm0, $0xb8;
	[tilespmem:$0x1A900] =	vst v63  }
0xba: {  	s30 =	simm.s32 $0x8900  }
0xbb: {  	[tilespmem:s30], [sflag:$0x1] =	stream.indirect_vreg.gather [hbm4b:s1+s24], $0x80, v3, vm0, $0xb8;
	[tilespmem:$0x1A900] =	vst v63  }
0xbc: {  	s31 =	simm.s32 $0x9100  }
0xbd: {  	[tilespmem:s31], [sflag:$0x1] =	stream.indirect_vreg.gather [hbm4b:s7+s24], $0x80, v3, vm0, $0xb8;
	[tilespmem:$0x1A900] =	vst v63  }
0xbe: {  	s2 =	simm.s32 $0x9900  }
0xbf: {  	[tilespmem:s2], [sflag:$0x1] =	stream.indirect_vreg.gather [hbm4b:s8+s24], $0x80, v3, vm0, $0xb8;
	[tilespmem:$0x1A900] =	vst v63  }
0xc0: {  	s6 =	simm.s32 $0xA100  }
0xc1: {  	[tilespmem:s6], [sflag:$0x1] =	stream.indirect_vreg.gather [hbm4b:s9+s24], $0x80, v3, vm0, $0xb8;
	[tilespmem:$0x1A900] =	vst v63  }
0xc2: {  	v3 =	vld [tilespmem:s23+$0x1000];
	_ =	sdelay $0x4  }
0xc3: {  	v62 =	vshll.u32 v3, $0x3  }
0xc4: {  	v3 =	vand.u32 $0x7, v3;
	v4 =	vand.u32 $0xFFFFFFC0, v62  }
0xc5: {  	v3 =	vor.u32 v3, v4  }
0xc6: {  	v4 =	vperm.xlane v3, v0;
	_ =	sdelay $0x1  }
0xc7: {  	v4 =	vadd.s32 v1, v4;
	_ =	sdelay $0x3  }
0xc8: {  	s25 =	simm.s32 $0xA900  }
0xc9: {  	[tilespmem:s25], [sflag:$0x1] =	stream.indirect_vreg.gather [hbm4b:s1+s24], $0x80, v4, vm0, $0xb8;
	[tilespmem:$0x1A900] =	vst v63  }
0xca: {  	s26 =	simm.s32 $0xB100;
	v3 =	vperm.xlane v3, v2  }
0xcb: {  	[tilespmem:s26], [sflag:$0x1] =	stream.indirect_vreg.gather [hbm4b:s7+s24], $0x80, v4, vm0, $0xb8;
	[tilespmem:$0x1A900] =	vst v63  }
0xcc: {  	s28 =	simm.s32 $0xB900;
	v3 =	vadd.s32 v1, v3  }
0xcd: {  	[tilespmem:s28], [sflag:$0x1] =	stream.indirect_vreg.gather [hbm4b:s8+s24], $0x80, v4, vm0, $0xb8;
	[tilespmem:$0x1A900] =	vst v63  }
0xce: {  	s29 =	simm.s32 $0xC100  }
0xcf: {  	[tilespmem:s29], [sflag:$0x1] =	stream.indirect_vreg.gather [hbm4b:s9+s24], $0x80, v4, vm0, $0xb8;
	[tilespmem:$0x1A900] =	vst v63  }
0xd0: {  	s30 =	simm.s32 $0xC900  }
0xd1: {  	[tilespmem:s30], [sflag:$0x1] =	stream.indirect_vreg.gather [hbm4b:s1+s24], $0x80, v3, vm0, $0xb8;
	[tilespmem:$0x1A900] =	vst v63  }
0xd2: {  	s31 =	simm.s32 $0xD100  }
0xd3: {  	[tilespmem:s31], [sflag:$0x1] =	stream.indirect_vreg.gather [hbm4b:s7+s24], $0x80, v3, vm0, $0xb8;
	[tilespmem:$0x1A900] =	vst v63  }
0xd4: {  	_ = 	snop  }
0xd5: {  	[tilespmem:s10], [sflag:$0x1] =	stream.indirect_vreg.gather [hbm4b:s8+s24], $0x80, v3, vm0, $0xb8;
	[tilespmem:$0x1A900] =	vst v63  }
0xd6: {  	_ = 	snop  }
0xd7: {  	[tilespmem:s3], [sflag:$0x1] =	stream.indirect_vreg.gather [hbm4b:s9+s24], $0x80, v3, vm0, $0xb8;
	[tilespmem:$0x1A900] =	vst v63  }
0xd8: {  	v3 =	vld [tilespmem:s23+$0x1010];
	_ =	sdelay $0x4  }
0xd9: {  	v63 =	vshll.u32 v3, $0x3  }
0xda: {  	v3 =	vand.u32 $0x7, v3;
	v4 =	vand.u32 $0xFFFFFFC0, v63  }
0xdb: {  	v3 =	vor.u32 v3, v4  }
0xdc: {  	v4 =	vperm.xlane v3, v0;
	_ =	sdelay $0x1  }
0xdd: {  	v4 =	vadd.s32 v1, v4;
	_ =	sdelay $0x4  }
0xde: {  	[tilespmem:s12], [sflag:$0x1] =	stream.indirect_vreg.gather [hbm4b:s1+s24], $0x80, v4, vm0, $0xb8;
	[tilespmem:$0x1A900] =	vst v63  }
0xdf: {  	v3 =	vperm.xlane v3, v2  }
0xe0: {  	[tilespmem:s13], [sflag:$0x1] =	stream.indirect_vreg.gather [hbm4b:s7+s24], $0x80, v4, vm0, $0xb8;
	[tilespmem:$0x1A900] =	vst v63  }
0xe1: {  	v3 =	vadd.s32 v1, v3  }
0xe2: {  	[tilespmem:s14], [sflag:$0x1] =	stream.indirect_vreg.gather [hbm4b:s8+s24], $0x80, v4, vm0, $0xb8;
	[tilespmem:$0x1A900] =	vst v63  }
0xe3: {  	_ = 	snop  }
0xe4: {  	[tilespmem:s15], [sflag:$0x1] =	stream.indirect_vreg.gather [hbm4b:s9+s24], $0x80, v4, vm0, $0xb8;
	[tilespmem:$0x1A900] =	vst v63  }
0xe5: {  	_ = 	snop  }
0xe6: {  	[tilespmem:s16], [sflag:$0x1] =	stream.indirect_vreg.gather [hbm4b:s1+s24], $0x80, v3, vm0, $0xb8;
	[tilespmem:$0x1A900] =	vst v63  }
0xe7: {  	_ = 	snop  }
0xe8: {  	[tilespmem:s17], [sflag:$0x1] =	stream.indirect_vreg.gather [hbm4b:s7+s24], $0x80, v3, vm0, $0xb8;
	[tilespmem:$0x1A900] =	vst v63  }
0xe9: {  	_ = 	snop  }
0xea: {  	[tilespmem:s18], [sflag:$0x1] =	stream.indirect_vreg.gather [hbm4b:s8+s24], $0x80, v3, vm0, $0xb8;
	[tilespmem:$0x1A900] =	vst v63  }
0xeb: {  	_ = 	snop  }
0xec: {  	[tilespmem:s19], [sflag:$0x1] =	stream.indirect_vreg.gather [hbm4b:s9+s24], $0x80, v3, vm0, $0xb8;
	[tilespmem:$0x1A900] =	vst v63  }
0xed: {  	_ =	swait.ge [sflag:s20], $0x8000  }
0xee: {  	[sflag:s20] =	ssyncset.done $0x0  }
0xef: {  	[sflag:s20] =	ssyncadd.s32 $0xFFFF8000  }
0xf0: {  	_ =	swait.ge [sflag:s20], $0x8000  }
0xf1: {  	[sflag:s20] =	ssyncset.done $0x0  }
0xf2: {  	s25 =	simm.s32 $0x0;
	[sflag:s20] =	ssyncadd.s32 $0xFFFF8000  }
.LBB2_5:
0xf3: {  	s0 =	sshll.u32 s25, $0xA;
	s26 =	sshll.u32 s25, $0x7  }
0xf4: {  	s28 =	simm.s32 $0x0;
	s0 =	sand.u32 $0x6000, s0;
	s26 =	sand.u32 $0x380, s26  }
0xf5: {  	s30 =	sor.u32 s23, s25;
	s29 =	sor.u32 s0, s26;
	s26 =	sand.u32 $0x40, s28  }
0xf6: {  	v3 =	vld.msk [tilespmem:s30+$0x1800 ss:$0x0], $0xffff;
	s2 =	sand.u32 $0x1C00, s28;
	s0 =	sor.u32 s26, s29  }
0xf7: {  	v4 =	vld.msk [tilespmem:s30+$0x2080 ss:$0x0], $0xffff;
	s26 =	sor.u32 s2, s0  }
0xf8: {  	v5 =	vld [tilespmem:s26+$0x2930]  }
0xf9: {  	v6 =	vld [tilespmem:s26+$0xA930]  }
0xfa: {  	v7 =	vld [tilespmem:s26+$0x2900]  }
0xfb: {  	v9 =	vld [tilespmem:s26+$0xA900]  }
0xfc: {  	s6 =	simm.s32 $0x40;
	v10 =	vld [tilespmem:s26+$0x2910]  }
0xfd: {  	s30 =	simm.s32 $0x200;
	s0 =	sand.u32 $0x40, s6;
	v11 =	vld [tilespmem:s26+$0xA910]  }
0xfe: {  	s28 =	sand.u32 $0x1C00, s30;
	s0 =	sor.u32 s0, s29;
	v12 =	vld [tilespmem:s26+$0x2920];
	v8 =	vmul.f32 v5, v3;
	v6 =	vmul.f32 v6, v4  }
0xff: {  	v13 =	vld [tilespmem:s26+$0xA920];
	s28 =	sor.u32 s28, s0  }
0x100: {  	v5 =	vld [tilespmem:s28+$0x2930];
	v7 =	vmul.f32 v7, v3;
	v9 =	vmul.f32 v9, v4;
	v14 =	vadd.f32 v6, v8  }
0x101: {  	v8 =	vld [tilespmem:s28+$0xA930]  }
0x102: {  	v11 =	vmul.f32 v11, v4;
	v6 =	vld [tilespmem:s28+$0x2900];
	v15 =	vadd.f32 v9, v7;
	[tilespmem:s26+$0x12930] =	vst v14;
	v14 =	vmul.f32 v10, v3  }
0x103: {  	v9 =	vld [tilespmem:s28+$0xA900]  }
0x104: {  	s31 =	simm.s32 $0x4;
	s0 =	simm.s32 $0x80;
	v10 =	vmul.f32 v12, v3;
	v7 =	vld [tilespmem:s28+$0x2910];
	[tilespmem:s26+$0x12900] =	vst v15;
	v12 =	vadd.f32 v11, v14;
	v11 =	vmul.f32 v13, v4  }
.LBB2_6:
0x105: {  	s2 =	sand.u32 $0x40, s0;
	v13 =	vld [tilespmem:s28+$0xA910];
	s30 =	sadd.s32 $0x200, s30  }
0x106: {  	s31 =	sadd.s32 $0x4, s31;
	v15 =	vmul.f32 v5, v3;
	s6 =	sand.u32 $0x1C00, s30;
	s2 =	sor.u32 s2, s29;
	v14 =	vld [tilespmem:s28+$0x2920];
	v8 =	vmul.f32 v8, v4;
	[tilespmem:s26+$0x12910] =	vst v12;
	v10 =	vadd.f32 v11, v10  }
0x107: {  	p0 =	slt.u32 s31, $0x3C;
	s2 =	sor.u32 s6, s2;
	v11 =	vmul.f32 v6, v3;
	v16 =	vld [tilespmem:s28+$0xA920]  }
.Ltmp1:
0x108: {  	v5 =	vld [tilespmem:s2+$0x2930];
	v9 =	vmul.f32 v9, v4;
	v12 =	vadd.f32 v8, v15;
	[tilespmem:s26+$0x12920] =	vst v10;
	s26 =	smov.u32 s28;
	s28 =	smov.u32 s2;
	(pc) =	sbr.rel @p0 .LBB2_6-.Ltmp1, $4  }
0x109: {  	v8 =	vld [tilespmem:s28+$0xA930];
	v15 =	vmul.f32 v7, v3  }
0x10a: {  	v6 =	vld [tilespmem:s28+$0x2900];
	v11 =	vadd.f32 v9, v11;
	v13 =	vmul.f32 v13, v4;
	[tilespmem:s26+$0x12930] =	vst v12  }
0x10b: {  	v9 =	vld [tilespmem:s28+$0xA900];
	v10 =	vmul.f32 v14, v3  }
0x10c: {  	s0 =	sadd.s32 $0x40, s0;
	v7 =	vld [tilespmem:s28+$0x2910];
	[tilespmem:s26+$0x12900] =	vst v11;
	v12 =	vadd.f32 v13, v15;
	v11 =	vmul.f32 v16, v4  }
0x10d: {  	v13 =	vld [tilespmem:s28+$0xA910]  }
0x10e: {  	v14 =	vld [tilespmem:s28+$0x2920];
	[tilespmem:s26+$0x12910] =	vst v12  }
0x10f: {  	v12 =	vld [tilespmem:s28+$0xA920];
	_ =	sdelay $0x1  }
0x110: {  	v5 =	vmul.f32 v5, v3;
	v8 =	vmul.f32 v8, v4  }
0x111: {  	s25 =	sadd.s32 $0x1, s25;
	v10 =	vadd.f32 v11, v10;
	v6 =	vmul.f32 v6, v3;
	v9 =	vmul.f32 v9, v4  }
0x112: {  	p0 =	sne.s32 s25, $0x20;
	v5 =	vadd.f32 v8, v5;
	v7 =	vmul.f32 v7, v3;
	v61 =	vmul.f32 v13, v4  }
.Ltmp2:
0x113: {  	[tilespmem:s26+$0x12920] =	vst v10;
	v6 =	vadd.f32 v9, v6;
	v3 =	vmul.f32 v14, v3;
	v62 =	vmul.f32 v12, v4;
	(pc) =	sbr.rel @p0 .LBB2_5-.Ltmp2, $4  }
0x114: {  	[tilespmem:s28+$0x12930] =	vst v5;
	v63 =	vadd.f32 v61, v7  }
0x115: {  	[tilespmem:s28+$0x12900] =	vst v6;
	v3 =	vadd.f32 v62, v3  }
0x116: {  	[tilespmem:s28+$0x12910] =	vst v63  }
0x117: {  	[tilespmem:s28+$0x12920] =	vst v3  }
0x118: {  	s0 =	sadd.s32 s4, s23;
	s22 =	sadd.s32 $0x1, s22  }
0x119: {  	s0 =	sshll.u32 s0, $0x7;
	p0 =	sne.s32 s22, $0x40  }
.Ltmp3:
0x11a: {  	s2 =	simm.s32 $0x0;
	s0 =	sadd.s32 s5, s0;
	(pc) =	sbr.rel @p0 .LBB2_4-.Ltmp3, $4  }
0x11b: {  	[hbm4b:s0+s2] =	stream.linear.scatter [tilespmem:s21], [sflag:$0x2], $0x8000, $0x38;
	[tilespmem:$0x1A900] =	vst v63  }
0x11c: {  	_ =	swait.ge [sflag:s11], $0x8000  }
0x11d: {  	[sflag:s11] =	ssyncset.done $0x0  }
0x11e: {  	[sflag:s11] =	ssyncadd.s32 $0xFFFF8000  }
0x11f: {  	s2 =	rddreg [dreg:$0x6]  }
0x120: {  	s0 =	rddreg [dreg:$0x5];
	s2 =	sadd.s32 $0x1, s2  }
0x121: {  	p0 =	sne.s32 s2, s0  }
.Ltmp4:
0x122: {  	_ = 	snop;
	(pc) =	sbr.rel @p0 .LBB2_1-.Ltmp4, $1  }
0x123: {  	_ =	sdelay $0x3  }
0x124: {  	_ =	sfence.sel $0x180000  }
0x125: {  	[bflag:$0x0] =	sbarrier.arrive $0xFFFF  }
0x126: {  	_ =	strace $0x90000047  }
0x127: {  	s0 =	stileid.u32;
	[bflag:$0x2] =	sbarrier.arrive $0xFFFF  }
0x128: {  	p0 =	sne.s32 s0, $0x0;
	s0 =	rddreg [dreg:$0x3]  }
0x129: {  	s0 =	sadd.s32 @!p0 $0x100000, s0  }
0x12a: {  	[sflag:s0] =	ssyncadd.tile.s32 @!p0 $0x1;
	_ =	shalt  }
.Lfunc_end2:
_tile_overlayer_lowered:
.L_overlay_start_2:
0x12b: {  	(tag) =	ssettag $0x2  }
0x12c: {  	s0 =	rddreg [dreg:$0x0];
	s2 =	stileid.u32  }
0x12d: {  	s1 =	rddreg [dreg:$0x1];
	p0 =	sne.s32 s2, $0x0  }
0x12e: {  	s3 =	rddreg [dreg:$0x2];
	[bflag:$0x3] =	sbarrier.arrive $0xFFFF;
	s2 =	simm.s32 @!p0 $0x1C02  }
0x12f: {  	[timem:s3], [sflag:s2] =	dma.local @!p0 [hbm:s0], s1  }
0x130: {  	s0 =	simm.s32 @!p0 $0x2  }
0x131: {  	_ =	swait.ge @!p0 [sflag:s0], s1  }
0x132: {  	s1 =	ssub.s32 @!p0 $0x0, s1;
	[sflag:s0] =	ssyncset.done @!p0 $0x0  }
0x133: {  	[sflag:s0] =	ssyncadd.s32 @!p0 s1  }
0x134: {  	[bflag:$0x3] =	sbarrier.arrive $0xFFFF  }
0x135: {  	_ =	shalt  }

</sc_bundles>
